<compile_context>
chip_gen: v7x
topology: tpu7x:2x2x1
jax: 0.10.2.dev20260603
libtpu: 0.0.44.dev20260713+nightly
codegen_flags: <defaults>
</compile_context>

<pallas_src>
import functools

import jax
import jax.numpy as jnp
from jax import lax
from jax.experimental import pallas as pl
from jax.experimental.pallas import tpu as pltpu
from jax.experimental.pallas import tpu_sc as plsc

_CH = 128
_UNROLL = 2


def _exp_body(x_ref, ex0_ref, ex1_ref, *, emb):
    x = x_ref[...]
    ex0_ref[...] = jnp.exp(x[:, :emb])
    ex1_ref[...] = jnp.exp(x[:, emb:])


def _merge_body(acc_ref, out_ref, *, n_dst):
    s = acc_ref[0, :n_dst, :] + acc_ref[1, :n_dst, :]
    out_ref[...] = jnp.where(s == 0.0, 0.0, jnp.log(jnp.where(s == 0.0, 1.0, s)))


def _sc_fan_in(ex0, ex1, src0, dst0, src1, dst1, zeros, *, n_chunk, acc_rows, emb):
    nc = 2
    ns = 16
    rows_per_tile = acc_rows // ns
    mesh = plsc.VectorSubcoreMesh(core_axis_name="c", subcore_axis_name="s")

    @functools.partial(
        pl.kernel,
        mesh=mesh,
        out_type=jax.ShapeDtypeStruct((nc, acc_rows, emb), jnp.float32),
        scratch_types=[
            pltpu.VMEM((n_chunk, _CH), jnp.int32),
            pltpu.VMEM((n_chunk, _CH), jnp.int32),
            pltpu.VMEM((_UNROLL, _CH, emb), jnp.float32),
            pltpu.VMEM_SHARED((acc_rows, emb), jnp.float32),
            pltpu.SemaphoreType.DMA,
            pltpu.SemaphoreType.DMA,
        ],
        compiler_params=pltpu.CompilerParams(use_tc_tiling_on_sc=False),
    )
    def k(ex0_hbm, ex1_hbm, s0_hbm, d0_hbm, s1_hbm, d1_hbm, z_hbm, out_hbm,
          idx_s, idx_d, rows, acc, sem0, sem1):
        c = lax.axis_index("c")
        s = lax.axis_index("s")
        w = c * ns + s

        pltpu.sync_copy(z_hbm, acc.at[pl.ds(s * rows_per_tile, rows_per_tile)])
        plsc.subcore_barrier()

        sems = (sem0, sem1)

        for ex_hbm, s_hbm, d_hbm in ((ex0_hbm, s0_hbm, d0_hbm),
                                     (ex1_hbm, s1_hbm, d1_hbm)):
            pltpu.sync_copy(s_hbm.at[w], idx_s)
            pltpu.sync_copy(d_hbm.at[w], idx_d)

            def gather_start(j, b):
                return pltpu.async_copy(ex_hbm.at[idx_s.at[j]], rows.at[b],
                                        sems[b])

            gather_start(0, 0).wait()

            def step(j, b):
                nxt = gather_start(j + 1, 1 - b)
                pltpu.sync_copy(rows.at[b], acc.at[idx_d.at[j]], add=True)
                return nxt

            def body(i, _):
                for b in range(_UNROLL):
                    step(i * _UNROLL + b, b).wait()
                return 0

            lax.fori_loop(0, (n_chunk - _UNROLL) // _UNROLL, body, 0)
            j_tail = n_chunk - _UNROLL
            step(j_tail, 0).wait()
            pltpu.sync_copy(rows.at[1], acc.at[idx_d.at[j_tail + 1]], add=True)

        plsc.subcore_barrier()
        pltpu.sync_copy(acc.at[pl.ds(s * rows_per_tile, rows_per_tile)],
                        out_hbm.at[c, pl.ds(s * rows_per_tile, rows_per_tile)])

    return k(ex0, ex1, src0, dst0, src1, dst1, zeros)


def kernel(x_src, x_dst, edge_index_0, edge_index_1):
    n_src, two_emb = x_src.shape
    emb = two_emb // 2
    n_dst = x_dst.shape[0]
    e = edge_index_0.shape[1]

    nw = 32
    per_w = -(-e // (nw * _CH * _UNROLL)) * (_CH * _UNROLL)
    n_chunk = per_w // _CH
    e_pad = per_w * nw - e

    acc_rows = ((n_dst + 1 + 127) // 128) * 128
    rows_per_tile = acc_rows // 16

    ex0, ex1 = pl.pallas_call(
        functools.partial(_exp_body, emb=emb),
        out_shape=(jax.ShapeDtypeStruct((n_src, emb), jnp.float32),
                   jax.ShapeDtypeStruct((n_src, emb), jnp.float32)),
    )(x_src)

    pad_s = jnp.zeros((e_pad,), jnp.int32)
    pad_d = jnp.full((e_pad,), n_dst, jnp.int32)
    def layout(ei):
        src = jnp.concatenate([ei[0], pad_s]).reshape(nw, n_chunk, _CH)
        dst = jnp.concatenate([ei[1], pad_d]).reshape(nw, n_chunk, _CH)
        return src, dst
    s0, d0 = layout(edge_index_0)
    s1, d1 = layout(edge_index_1)
    zeros = jnp.zeros((rows_per_tile, emb), jnp.float32)

    acc2 = _sc_fan_in(ex0, ex1, s0, d0, s1, d1, zeros,
                      n_chunk=n_chunk, acc_rows=acc_rows, emb=emb)

    out = pl.pallas_call(
        functools.partial(_merge_body, n_dst=n_dst),
        out_shape=jax.ShapeDtypeStruct((n_dst, emb), jnp.float32),
    )(acc2)
    return out

# --- scband reference (transcript-rebuilt; emitter-appended) ---
"""Pipeline reference for scband-fan-in-mp-2972117369426 (READ-ONLY COPY).

The authoritative reference and input builder live on the scoring server;
editing this copy changes nothing except your own understanding.
"""

import jax, jax.numpy as jnp
import numpy as np

EMB = 64
N_SRC = 10000
N_DST = 10000
E = 640000


def setup_inputs(seed: int = 0) -> dict:
    key = jax.random.key(seed)
    k1, k2, k3, k4 = jax.random.split(key, 4)
    x_src = jax.random.normal(k1, (N_SRC, 2 * EMB), dtype=jnp.float32)
    x_dst = jax.random.normal(k2, (N_DST, 2 * EMB), dtype=jnp.float32)
    edge_index_0 = jax.random.randint(k3, (2, E), 0, N_SRC, dtype=jnp.int32)
    edge_index_1 = jax.random.randint(k4, (2, E), 0, N_SRC, dtype=jnp.int32)
    return {"x_src": x_src, "x_dst": x_dst, "edge_index_0": edge_index_0, "edge_index_1": edge_index_1}


def _segment_logsumexp(vals, idx, num_segments):
    # numerically-stable scatter-logsumexp, matching LogSumExpAggregation
    mx = jax.ops.segment_max(vals, idx, num_segments=num_segments)
    safe_mx = jnp.where(jnp.isfinite(mx), mx, 0.0)
    s = jax.ops.segment_sum(jnp.exp(vals - safe_mx[idx]), idx, num_segments=num_segments)
    cnt = jax.ops.segment_sum(jnp.ones((vals.shape[0],), vals.dtype), idx, num_segments=num_segments)
    empty = (cnt == 0)[:, None]
    return jnp.where(empty, 0.0, jnp.log(jnp.where(empty, 1.0, s)) + safe_mx)


def reference(x_src, x_dst, edge_index_0, edge_index_1):
    # FanInMP over two edge types ('src','0','dst') and ('src','1','dst').
    # SelectMP.message: gather x_j = x_src[src_idx], slice columns
    # [pos*EMB:(pos+1)*EMB]; SelectMP.aggregate defers aggregation and
    # returns (inputs, index, dim_size). FanInMP._group_output concatenates
    # messages/indices across edge types and applies LogSumExp aggregation
    # over the fanned-in messages per destination node.
    msgs = []
    idxs = []
    for pos, ei in ((0, edge_index_0), (1, edge_index_1)):
        src = ei[0]
        dst = ei[1]
        x_j = jnp.take(x_src, src, axis=0)
        sliced = x_j[:, pos * EMB:(pos + 1) * EMB]
        msgs.append(sliced)
        idxs.append(dst)
    flat_inputs = jnp.concatenate(msgs, axis=0)
    flat_indices = jnp.concatenate(idxs, axis=0)
    dim_size = x_dst.shape[0]
    out = _segment_logsumexp(flat_inputs, flat_indices, dim_size)
    return out

if __name__ == "__main__":
    import jax
    _d = setup_inputs()
    print(jax.jit(kernel)(*tuple(_d.values())))

</pallas_src>

<mosaic_0001>
#map = affine_map<(d0, d1) -> (0, 0)>
#map1 = affine_map<(d0, d1) -> (0, 0, 0)>
module attributes {stable_mosaic.version = 14 : i64} {
  func.func @k(%arg0: i32, %arg1: i32, %arg2: memref<10000x64xf32, #tpu.memory_space<hbm>>, %arg3: memref<10000x64xf32, #tpu.memory_space<hbm>>, %arg4: memref<32x158x128xi32, #tpu.memory_space<hbm>>, %arg5: memref<32x158x128xi32, #tpu.memory_space<hbm>>, %arg6: memref<32x158x128xi32, #tpu.memory_space<hbm>>, %arg7: memref<32x158x128xi32, #tpu.memory_space<hbm>>, %arg8: memref<632x64xf32, #tpu.memory_space<hbm>>, %arg9: memref<2x10112x64xf32, #tpu.memory_space<hbm>>, %arg10: memref<158x128xi32, #tpu.memory_space<vmem>>, %arg11: memref<158x128xi32, #tpu.memory_space<vmem>>, %arg12: memref<2x128x64xf32, #tpu.memory_space<vmem>>, %arg13: memref<10112x64xf32, #tpu.memory_space<vmem_shared>>, %arg14: memref<!tpu.dma_semaphore, #tpu.memory_space<semaphore_mem>>, %arg15: memref<!tpu.dma_semaphore, #tpu.memory_space<semaphore_mem>>) attributes {dimension_semantics = [#tpu.dimension_semantics<core_parallel>, #tpu.dimension_semantics<subcore_parallel>], iteration_bounds = array<i64: 2, 16>, scalar_prefetch = 0 : i64, scratch_operands = 6 : i64, tpu.core_type = #tpu.core_type<sc_vector_subcore>, window_params = [{transform_indices = #map}, {transform_indices = #map}, {transform_indices = #map1}, {transform_indices = #map1}, {transform_indices = #map1}, {transform_indices = #map1}, {transform_indices = #map}, {transform_indices = #map1}]} {
    %mul3A = arith.constant 16 : i32
    %mul3A_0 = arith.muli %arg0, %mul3A : i32
    %add3A = arith.addi %mul3A_0, %arg1 : i32
    %mul3A_1 = arith.constant 632 : i32
    %mul3A_2 = arith.muli %arg1, %mul3A_1 : i32
    "tpu.region"() ({
      %run_scoped3A_122 = tpu.sem_alloc : memref<!tpu.dma_semaphore, #tpu.memory_space<semaphore_mem>>
      %dma_start3A_123 = arith.constant 0 : i32
      %dma_start3A_124 = tpu.memref_slice %arg13[%mul3A_2, %dma_start3A_123] : memref<10112x64xf32, #tpu.memory_space<vmem_shared>> -> memref<632x64xf32, #tpu.memory_space<vmem_shared>>
      tpu.enqueue_dma source(%arg8 : memref<632x64xf32, #tpu.memory_space<hbm>>) target(%dma_start3A_124 : memref<632x64xf32, #tpu.memory_space<vmem_shared>>) target_semaphore(%run_scoped3A_122 : memref<!tpu.dma_semaphore, #tpu.memory_space<semaphore_mem>>)
      %dma_wait3A_125 = arith.constant 0 : i32
      %dma_wait3A_126 = tpu.memref_slice %arg13[%mul3A_2, %dma_wait3A_125] : memref<10112x64xf32, #tpu.memory_space<vmem_shared>> -> memref<632x64xf32, #tpu.memory_space<vmem_shared>>
      tpu.wait_dma2 semaphore(%run_scoped3A_122 : memref<!tpu.dma_semaphore, #tpu.memory_space<semaphore_mem>>) src(%arg8 : memref<632x64xf32, #tpu.memory_space<hbm>>) dst(%dma_wait3A_126 : memref<632x64xf32, #tpu.memory_space<vmem_shared>>)
      tpu.yield
    }) : () -> ()
    %barrier3A = arith.constant 0 : index
    tpu.barrier barrier_id(%barrier3A)
    "tpu.region"() ({
      %run_scoped3A_122 = tpu.sem_alloc : memref<!tpu.dma_semaphore, #tpu.memory_space<semaphore_mem>>
      %dma_start3A_123 = arith.constant 0 : i32
      %dma_start3A_124 = arith.constant 0 : i32
      %dma_start3A_125 = tpu.memref_slice %arg4[%add3A, %dma_start3A_123, %dma_start3A_124] : memref<32x158x128xi32, #tpu.memory_space<hbm>> -> memref<1x158x128xi32, #tpu.memory_space<hbm>>
      %dma_start3A_126 = tpu.memref_squeeze %dma_start3A_125 : memref<1x158x128xi32, #tpu.memory_space<hbm>> -> memref<158x128xi32, #tpu.memory_space<hbm>>
      %dma_start3A_127 = arith.constant 0 : i32
      %dma_start3A_128 = arith.constant 0 : i32
      %dma_start3A_129 = tpu.memref_slice %arg4[%add3A, %dma_start3A_127, %dma_start3A_128] : memref<32x158x128xi32, #tpu.memory_space<hbm>> -> memref<1x158x128xi32, #tpu.memory_space<hbm>>
      %dma_start3A_130 = tpu.memref_squeeze %dma_start3A_129 : memref<1x158x128xi32, #tpu.memory_space<hbm>> -> memref<158x128xi32, #tpu.memory_space<hbm>>
      tpu.enqueue_dma source(%dma_start3A_130 : memref<158x128xi32, #tpu.memory_space<hbm>>) target(%arg10 : memref<158x128xi32, #tpu.memory_space<vmem>>) target_semaphore(%run_scoped3A_122 : memref<!tpu.dma_semaphore, #tpu.memory_space<semaphore_mem>>)
      %dma_wait3A_131 = arith.constant 0 : i32
      %dma_wait3A_132 = arith.constant 0 : i32
      %dma_wait3A_133 = tpu.memref_slice %arg4[%add3A, %dma_wait3A_131, %dma_wait3A_132] : memref<32x158x128xi32, #tpu.memory_space<hbm>> -> memref<1x158x128xi32, #tpu.memory_space<hbm>>
      %dma_wait3A_134 = tpu.memref_squeeze %dma_wait3A_133 : memref<1x158x128xi32, #tpu.memory_space<hbm>> -> memref<158x128xi32, #tpu.memory_space<hbm>>
      %dma_wait3A_135 = arith.constant 0 : i32
      %dma_wait3A_136 = arith.constant 0 : i32
      %dma_wait3A_137 = tpu.memref_slice %arg4[%add3A, %dma_wait3A_135, %dma_wait3A_136] : memref<32x158x128xi32, #tpu.memory_space<hbm>> -> memref<1x158x128xi32, #tpu.memory_space<hbm>>
      %dma_wait3A_138 = tpu.memref_squeeze %dma_wait3A_137 : memref<1x158x128xi32, #tpu.memory_space<hbm>> -> memref<158x128xi32, #tpu.memory_space<hbm>>
      tpu.wait_dma2 semaphore(%run_scoped3A_122 : memref<!tpu.dma_semaphore, #tpu.memory_space<semaphore_mem>>) src(%dma_wait3A_138 : memref<158x128xi32, #tpu.memory_space<hbm>>) dst(%arg10 : memref<158x128xi32, #tpu.memory_space<vmem>>)
      tpu.yield
    }) : () -> ()
    "tpu.region"() ({
      %run_scoped3A_122 = tpu.sem_alloc : memref<!tpu.dma_semaphore, #tpu.memory_space<semaphore_mem>>
      %dma_start3A_123 = arith.constant 0 : i32
      %dma_start3A_124 = arith.constant 0 : i32
      %dma_start3A_125 = tpu.memref_slice %arg5[%add3A, %dma_start3A_123, %dma_start3A_124] : memref<32x158x128xi32, #tpu.memory_space<hbm>> -> memref<1x158x128xi32, #tpu.memory_space<hbm>>
      %dma_start3A_126 = tpu.memref_squeeze %dma_start3A_125 : memref<1x158x128xi32, #tpu.memory_space<hbm>> -> memref<158x128xi32, #tpu.memory_space<hbm>>
      %dma_start3A_127 = arith.constant 0 : i32
      %dma_start3A_128 = arith.constant 0 : i32
      %dma_start3A_129 = tpu.memref_slice %arg5[%add3A, %dma_start3A_127, %dma_start3A_128] : memref<32x158x128xi32, #tpu.memory_space<hbm>> -> memref<1x158x128xi32, #tpu.memory_space<hbm>>
      %dma_start3A_130 = tpu.memref_squeeze %dma_start3A_129 : memref<1x158x128xi32, #tpu.memory_space<hbm>> -> memref<158x128xi32, #tpu.memory_space<hbm>>
      tpu.enqueue_dma source(%dma_start3A_130 : memref<158x128xi32, #tpu.memory_space<hbm>>) target(%arg11 : memref<158x128xi32, #tpu.memory_space<vmem>>) target_semaphore(%run_scoped3A_122 : memref<!tpu.dma_semaphore, #tpu.memory_space<semaphore_mem>>)
      %dma_wait3A_131 = arith.constant 0 : i32
      %dma_wait3A_132 = arith.constant 0 : i32
      %dma_wait3A_133 = tpu.memref_slice %arg5[%add3A, %dma_wait3A_131, %dma_wait3A_132] : memref<32x158x128xi32, #tpu.memory_space<hbm>> -> memref<1x158x128xi32, #tpu.memory_space<hbm>>
      %dma_wait3A_134 = tpu.memref_squeeze %dma_wait3A_133 : memref<1x158x128xi32, #tpu.memory_space<hbm>> -> memref<158x128xi32, #tpu.memory_space<hbm>>
      %dma_wait3A_135 = arith.constant 0 : i32
      %dma_wait3A_136 = arith.constant 0 : i32
      %dma_wait3A_137 = tpu.memref_slice %arg5[%add3A, %dma_wait3A_135, %dma_wait3A_136] : memref<32x158x128xi32, #tpu.memory_space<hbm>> -> memref<1x158x128xi32, #tpu.memory_space<hbm>>
      %dma_wait3A_138 = tpu.memref_squeeze %dma_wait3A_137 : memref<1x158x128xi32, #tpu.memory_space<hbm>> -> memref<158x128xi32, #tpu.memory_space<hbm>>
      tpu.wait_dma2 semaphore(%run_scoped3A_122 : memref<!tpu.dma_semaphore, #tpu.memory_space<semaphore_mem>>) src(%dma_wait3A_138 : memref<158x128xi32, #tpu.memory_space<hbm>>) dst(%arg11 : memref<158x128xi32, #tpu.memory_space<vmem>>)
      tpu.yield
    }) : () -> ()
    %dma_start3A = arith.constant 0 : i32
    %dma_start3A_3 = arith.constant 0 : i32
    %dma_start3A_4 = arith.constant 0 : i32
    %dma_start3A_5 = arith.constant 0 : i32
    %dma_start3A_6 = tpu.memref_slice %arg12[%dma_start3A_3, %dma_start3A_4, %dma_start3A_5] : memref<2x128x64xf32, #tpu.memory_space<vmem>> -> memref<1x128x64xf32, #tpu.memory_space<vmem>>
    %dma_start3A_7 = tpu.memref_squeeze %dma_start3A_6 : memref<1x128x64xf32, #tpu.memory_space<vmem>> -> memref<128x64xf32, #tpu.memory_space<vmem>>
    %dma_start3A_8 = arith.constant 0 : i32
    %dma_start3A_9 = tpu.memref_slice %arg10[%dma_start3A, %dma_start3A_8] : memref<158x128xi32, #tpu.memory_space<vmem>> -> memref<1x128xi32, #tpu.memory_space<vmem>>
    %dma_start3A_10 = tpu.memref_squeeze %dma_start3A_9 : memref<1x128xi32, #tpu.memory_space<vmem>> -> memref<128xi32, #tpu.memory_space<vmem>>
    %dma_start3A_11 = arith.constant 0 : i32
    %dma_start3A_12 = arith.constant 0 : i32
    %dma_start3A_13 = tpu.memref_slice %arg2[%dma_start3A_11, %dma_start3A_12] : memref<10000x64xf32, #tpu.memory_space<hbm>> -> memref<10000x64xf32, #tpu.memory_space<hbm>>
    tpu.enqueue_indirect_dma source(%dma_start3A_13 : memref<10000x64xf32, #tpu.memory_space<hbm>>) target(%dma_start3A_7 : memref<128x64xf32, #tpu.memory_space<vmem>>) offsets(%dma_start3A_10 : memref<128xi32, #tpu.memory_space<vmem>>) semaphore(%arg14 : memref<!tpu.dma_semaphore, #tpu.memory_space<semaphore_mem>>)
    %dma_wait3A = arith.constant 0 : i32
    %dma_wait3A_14 = arith.constant 0 : i32
    %dma_wait3A_15 = arith.constant 0 : i32
    %dma_wait3A_16 = arith.constant 0 : i32
    %dma_wait3A_17 = tpu.memref_slice %arg12[%dma_wait3A_14, %dma_wait3A_15, %dma_wait3A_16] : memref<2x128x64xf32, #tpu.memory_space<vmem>> -> memref<1x128x64xf32, #tpu.memory_space<vmem>>
    %dma_wait3A_18 = tpu.memref_squeeze %dma_wait3A_17 : memref<1x128x64xf32, #tpu.memory_space<vmem>> -> memref<128x64xf32, #tpu.memory_space<vmem>>
    %dma_wait3A_19 = arith.constant 0 : i32
    %dma_wait3A_20 = tpu.memref_slice %arg10[%dma_wait3A, %dma_wait3A_19] : memref<158x128xi32, #tpu.memory_space<vmem>> -> memref<1x128xi32, #tpu.memory_space<vmem>>
    %dma_wait3A_21 = tpu.memref_squeeze %dma_wait3A_20 : memref<1x128xi32, #tpu.memory_space<vmem>> -> memref<128xi32, #tpu.memory_space<vmem>>
    %dma_wait3A_22 = arith.constant 0 : i32
    %dma_wait3A_23 = arith.constant 0 : i32
    %dma_wait3A_24 = tpu.memref_slice %arg2[%dma_wait3A_22, %dma_wait3A_23] : memref<10000x64xf32, #tpu.memory_space<hbm>> -> memref<10000x64xf32, #tpu.memory_space<hbm>>
    tpu.wait_indirect_dma semaphore(%arg14 : memref<!tpu.dma_semaphore, #tpu.memory_space<semaphore_mem>>) src(%dma_wait3A_24 : memref<10000x64xf32, #tpu.memory_space<hbm>>) dst(%dma_wait3A_18 : memref<128x64xf32, #tpu.memory_space<vmem>>)
    %scan3A = arith.constant 0 : i32
    %scan3A_25 = arith.constant 0 : i32
    %scan3A_26 = arith.constant 78 : i32
    %scan3A_27 = arith.addi %scan3A_25, %scan3A_26 : i32
    %scan3A_28 = arith.constant 1 : i32
    %scan3A_29 = scf.for %scan3A_122 = %scan3A_25 to %scan3A_27 step %scan3A_28 iter_args(%scan3A_123 = %scan3A) -> (i32)  : i32 {
      %mul3A_124 = arith.constant 2 : i32
      %mul3A_125 = arith.muli %scan3A_122, %mul3A_124 : i32
      %add3A_126 = arith.constant 0 : i32
      %add3A_127 = arith.addi %mul3A_125, %add3A_126 : i32
      %add3A_128 = arith.constant 1 : i32
      %add3A_129 = arith.addi %add3A_127, %add3A_128 : i32
      %dma_start3A_130 = arith.constant 1 : i32
      %dma_start3A_131 = arith.constant 0 : i32
      %dma_start3A_132 = arith.constant 0 : i32
      %dma_start3A_133 = tpu.memref_slice %arg12[%dma_start3A_130, %dma_start3A_131, %dma_start3A_132] : memref<2x128x64xf32, #tpu.memory_space<vmem>> -> memref<1x128x64xf32, #tpu.memory_space<vmem>>
      %dma_start3A_134 = tpu.memref_squeeze %dma_start3A_133 : memref<1x128x64xf32, #tpu.memory_space<vmem>> -> memref<128x64xf32, #tpu.memory_space<vmem>>
      %dma_start3A_135 = arith.constant 0 : i32
      %dma_start3A_136 = tpu.memref_slice %arg10[%add3A_129, %dma_start3A_135] : memref<158x128xi32, #tpu.memory_space<vmem>> -> memref<1x128xi32, #tpu.memory_space<vmem>>
      %dma_start3A_137 = tpu.memref_squeeze %dma_start3A_136 : memref<1x128xi32, #tpu.memory_space<vmem>> -> memref<128xi32, #tpu.memory_space<vmem>>
      %dma_start3A_138 = arith.constant 0 : i32
      %dma_start3A_139 = arith.constant 0 : i32
      %dma_start3A_140 = tpu.memref_slice %arg2[%dma_start3A_138, %dma_start3A_139] : memref<10000x64xf32, #tpu.memory_space<hbm>> -> memref<10000x64xf32, #tpu.memory_space<hbm>>
      tpu.enqueue_indirect_dma source(%dma_start3A_140 : memref<10000x64xf32, #tpu.memory_space<hbm>>) target(%dma_start3A_134 : memref<128x64xf32, #tpu.memory_space<vmem>>) offsets(%dma_start3A_137 : memref<128xi32, #tpu.memory_space<vmem>>) semaphore(%arg15 : memref<!tpu.dma_semaphore, #tpu.memory_space<semaphore_mem>>)
      %run_scoped3A_141 = arith.constant 0 : i32
      "tpu.region"() ({
        %run_scoped3A_183 = tpu.sem_alloc : memref<!tpu.dma_semaphore, #tpu.memory_space<semaphore_mem>>
        %dma_start3A_184 = arith.constant 0 : i32
        %dma_start3A_185 = arith.constant 0 : i32
        %dma_start3A_186 = tpu.memref_slice %arg12[%run_scoped3A_141, %dma_start3A_184, %dma_start3A_185] : memref<2x128x64xf32, #tpu.memory_space<vmem>> -> memref<1x128x64xf32, #tpu.memory_space<vmem>>
        %dma_start3A_187 = tpu.memref_squeeze %dma_start3A_186 : memref<1x128x64xf32, #tpu.memory_space<vmem>> -> memref<128x64xf32, #tpu.memory_space<vmem>>
        %dma_start3A_188 = arith.constant 0 : i32
        %dma_start3A_189 = tpu.memref_slice %arg11[%add3A_127, %dma_start3A_188] : memref<158x128xi32, #tpu.memory_space<vmem>> -> memref<1x128xi32, #tpu.memory_space<vmem>>
        %dma_start3A_190 = tpu.memref_squeeze %dma_start3A_189 : memref<1x128xi32, #tpu.memory_space<vmem>> -> memref<128xi32, #tpu.memory_space<vmem>>
        %dma_start3A_191 = arith.constant 0 : i32
        %dma_start3A_192 = arith.constant 0 : i32
        %dma_start3A_193 = tpu.memref_slice %arg13[%dma_start3A_191, %dma_start3A_192] : memref<10112x64xf32, #tpu.memory_space<vmem_shared>> -> memref<10112x64xf32, #tpu.memory_space<vmem_shared>>
        tpu.enqueue_indirect_dma source(%dma_start3A_187 : memref<128x64xf32, #tpu.memory_space<vmem>>) target(%dma_start3A_193 : memref<10112x64xf32, #tpu.memory_space<vmem_shared>>) offsets(%dma_start3A_190 : memref<128xi32, #tpu.memory_space<vmem>>) semaphore(%run_scoped3A_183 : memref<!tpu.dma_semaphore, #tpu.memory_space<semaphore_mem>>) {add = true}
        %dma_wait3A_194 = arith.constant 0 : i32
        %dma_wait3A_195 = arith.constant 0 : i32
        %dma_wait3A_196 = tpu.memref_slice %arg12[%run_scoped3A_141, %dma_wait3A_194, %dma_wait3A_195] : memref<2x128x64xf32, #tpu.memory_space<vmem>> -> memref<1x128x64xf32, #tpu.memory_space<vmem>>
        %dma_wait3A_197 = tpu.memref_squeeze %dma_wait3A_196 : memref<1x128x64xf32, #tpu.memory_space<vmem>> -> memref<128x64xf32, #tpu.memory_space<vmem>>
        %dma_wait3A_198 = arith.constant 0 : i32
        %dma_wait3A_199 = tpu.memref_slice %arg11[%add3A_127, %dma_wait3A_198] : memref<158x128xi32, #tpu.memory_space<vmem>> -> memref<1x128xi32, #tpu.memory_space<vmem>>
        %dma_wait3A_200 = tpu.memref_squeeze %dma_wait3A_199 : memref<1x128xi32, #tpu.memory_space<vmem>> -> memref<128xi32, #tpu.memory_space<vmem>>
        %dma_wait3A_201 = arith.constant 0 : i32
        %dma_wait3A_202 = arith.constant 0 : i32
        %dma_wait3A_203 = tpu.memref_slice %arg13[%dma_wait3A_201, %dma_wait3A_202] : memref<10112x64xf32, #tpu.memory_space<vmem_shared>> -> memref<10112x64xf32, #tpu.memory_space<vmem_shared>>
        tpu.wait_indirect_dma semaphore(%run_scoped3A_183 : memref<!tpu.dma_semaphore, #tpu.memory_space<semaphore_mem>>) src(%dma_wait3A_197 : memref<128x64xf32, #tpu.memory_space<vmem>>) dst(%dma_wait3A_203 : memref<10112x64xf32, #tpu.memory_space<vmem_shared>>)
        tpu.yield
      }) : () -> ()
      %dma_wait3A_142 = arith.constant 1 : i32
      %dma_wait3A_143 = arith.constant 0 : i32
      %dma_wait3A_144 = arith.constant 0 : i32
      %dma_wait3A_145 = tpu.memref_slice %arg12[%dma_wait3A_142, %dma_wait3A_143, %dma_wait3A_144] : memref<2x128x64xf32, #tpu.memory_space<vmem>> -> memref<1x128x64xf32, #tpu.memory_space<vmem>>
      %dma_wait3A_146 = tpu.memref_squeeze %dma_wait3A_145 : memref<1x128x64xf32, #tpu.memory_space<vmem>> -> memref<128x64xf32, #tpu.memory_space<vmem>>
      %dma_wait3A_147 = arith.constant 0 : i32
      %dma_wait3A_148 = tpu.memref_slice %arg10[%add3A_129, %dma_wait3A_147] : memref<158x128xi32, #tpu.memory_space<vmem>> -> memref<1x128xi32, #tpu.memory_space<vmem>>
      %dma_wait3A_149 = tpu.memref_squeeze %dma_wait3A_148 : memref<1x128xi32, #tpu.memory_space<vmem>> -> memref<128xi32, #tpu.memory_space<vmem>>
      %dma_wait3A_150 = arith.constant 0 : i32
      %dma_wait3A_151 = arith.constant 0 : i32
      %dma_wait3A_152 = tpu.memref_slice %arg2[%dma_wait3A_150, %dma_wait3A_151] : memref<10000x64xf32, #tpu.memory_space<hbm>> -> memref<10000x64xf32, #tpu.memory_space<hbm>>
      tpu.wait_indirect_dma semaphore(%arg15 : memref<!tpu.dma_semaphore, #tpu.memory_space<semaphore_mem>>) src(%dma_wait3A_152 : memref<10000x64xf32, #tpu.memory_space<hbm>>) dst(%dma_wait3A_146 : memref<128x64xf32, #tpu.memory_space<vmem>>)
      %mul3A_153 = arith.constant 2 : i32
      %mul3A_154 = arith.muli %scan3A_122, %mul3A_153 : i32
      %add3A_155 = arith.constant 1 : i32
      %add3A_156 = arith.addi %mul3A_154, %add3A_155 : i32
      %add3A_157 = arith.constant 1 : i32
      %add3A_158 = arith.addi %add3A_156, %add3A_157 : i32
      %dma_start3A_159 = arith.constant 0 : i32
      %dma_start3A_160 = arith.constant 0 : i32
      %dma_start3A_161 = arith.constant 0 : i32
      %dma_start3A_162 = tpu.memref_slice %arg12[%dma_start3A_159, %dma_start3A_160, %dma_start3A_161] : memref<2x128x64xf32, #tpu.memory_space<vmem>> -> memref<1x128x64xf32, #tpu.memory_space<vmem>>
      %dma_start3A_163 = tpu.memref_squeeze %dma_start3A_162 : memref<1x128x64xf32, #tpu.memory_space<vmem>> -> memref<128x64xf32, #tpu.memory_space<vmem>>
      %dma_start3A_164 = arith.constant 0 : i32
      %dma_start3A_165 = tpu.memref_slice %arg10[%add3A_158, %dma_start3A_164] : memref<158x128xi32, #tpu.memory_space<vmem>> -> memref<1x128xi32, #tpu.memory_space<vmem>>
      %dma_start3A_166 = tpu.memref_squeeze %dma_start3A_165 : memref<1x128xi32, #tpu.memory_space<vmem>> -> memref<128xi32, #tpu.memory_space<vmem>>
      %dma_start3A_167 = arith.constant 0 : i32
      %dma_start3A_168 = arith.constant 0 : i32
      %dma_start3A_169 = tpu.memref_slice %arg2[%dma_start3A_167, %dma_start3A_168] : memref<10000x64xf32, #tpu.memory_space<hbm>> -> memref<10000x64xf32, #tpu.memory_space<hbm>>
      tpu.enqueue_indirect_dma source(%dma_start3A_169 : memref<10000x64xf32, #tpu.memory_space<hbm>>) target(%dma_start3A_163 : memref<128x64xf32, #tpu.memory_space<vmem>>) offsets(%dma_start3A_166 : memref<128xi32, #tpu.memory_space<vmem>>) semaphore(%arg14 : memref<!tpu.dma_semaphore, #tpu.memory_space<semaphore_mem>>)
      %run_scoped3A_170 = arith.constant 1 : i32
      "tpu.region"() ({
        %run_scoped3A_183 = tpu.sem_alloc : memref<!tpu.dma_semaphore, #tpu.memory_space<semaphore_mem>>
        %dma_start3A_184 = arith.constant 0 : i32
        %dma_start3A_185 = arith.constant 0 : i32
        %dma_start3A_186 = tpu.memref_slice %arg12[%run_scoped3A_170, %dma_start3A_184, %dma_start3A_185] : memref<2x128x64xf32, #tpu.memory_space<vmem>> -> memref<1x128x64xf32, #tpu.memory_space<vmem>>
        %dma_start3A_187 = tpu.memref_squeeze %dma_start3A_186 : memref<1x128x64xf32, #tpu.memory_space<vmem>> -> memref<128x64xf32, #tpu.memory_space<vmem>>
        %dma_start3A_188 = arith.constant 0 : i32
        %dma_start3A_189 = tpu.memref_slice %arg11[%add3A_156, %dma_start3A_188] : memref<158x128xi32, #tpu.memory_space<vmem>> -> memref<1x128xi32, #tpu.memory_space<vmem>>
        %dma_start3A_190 = tpu.memref_squeeze %dma_start3A_189 : memref<1x128xi32, #tpu.memory_space<vmem>> -> memref<128xi32, #tpu.memory_space<vmem>>
        %dma_start3A_191 = arith.constant 0 : i32
        %dma_start3A_192 = arith.constant 0 : i32
        %dma_start3A_193 = tpu.memref_slice %arg13[%dma_start3A_191, %dma_start3A_192] : memref<10112x64xf32, #tpu.memory_space<vmem_shared>> -> memref<10112x64xf32, #tpu.memory_space<vmem_shared>>
        tpu.enqueue_indirect_dma source(%dma_start3A_187 : memref<128x64xf32, #tpu.memory_space<vmem>>) target(%dma_start3A_193 : memref<10112x64xf32, #tpu.memory_space<vmem_shared>>) offsets(%dma_start3A_190 : memref<128xi32, #tpu.memory_space<vmem>>) semaphore(%run_scoped3A_183 : memref<!tpu.dma_semaphore, #tpu.memory_space<semaphore_mem>>) {add = true}
        %dma_wait3A_194 = arith.constant 0 : i32
        %dma_wait3A_195 = arith.constant 0 : i32
        %dma_wait3A_196 = tpu.memref_slice %arg12[%run_scoped3A_170, %dma_wait3A_194, %dma_wait3A_195] : memref<2x128x64xf32, #tpu.memory_space<vmem>> -> memref<1x128x64xf32, #tpu.memory_space<vmem>>
        %dma_wait3A_197 = tpu.memref_squeeze %dma_wait3A_196 : memref<1x128x64xf32, #tpu.memory_space<vmem>> -> memref<128x64xf32, #tpu.memory_space<vmem>>
        %dma_wait3A_198 = arith.constant 0 : i32
        %dma_wait3A_199 = tpu.memref_slice %arg11[%add3A_156, %dma_wait3A_198] : memref<158x128xi32, #tpu.memory_space<vmem>> -> memref<1x128xi32, #tpu.memory_space<vmem>>
        %dma_wait3A_200 = tpu.memref_squeeze %dma_wait3A_199 : memref<1x128xi32, #tpu.memory_space<vmem>> -> memref<128xi32, #tpu.memory_space<vmem>>
        %dma_wait3A_201 = arith.constant 0 : i32
        %dma_wait3A_202 = arith.constant 0 : i32
        %dma_wait3A_203 = tpu.memref_slice %arg13[%dma_wait3A_201, %dma_wait3A_202] : memref<10112x64xf32, #tpu.memory_space<vmem_shared>> -> memref<10112x64xf32, #tpu.memory_space<vmem_shared>>
        tpu.wait_indirect_dma semaphore(%run_scoped3A_183 : memref<!tpu.dma_semaphore, #tpu.memory_space<semaphore_mem>>) src(%dma_wait3A_197 : memref<128x64xf32, #tpu.memory_space<vmem>>) dst(%dma_wait3A_203 : memref<10112x64xf32, #tpu.memory_space<vmem_shared>>)
        tpu.yield
      }) : () -> ()
      %dma_wait3A_171 = arith.constant 0 : i32
      %dma_wait3A_172 = arith.constant 0 : i32
      %dma_wait3A_173 = arith.constant 0 : i32
      %dma_wait3A_174 = tpu.memref_slice %arg12[%dma_wait3A_171, %dma_wait3A_172, %dma_wait3A_173] : memref<2x128x64xf32, #tpu.memory_space<vmem>> -> memref<1x128x64xf32, #tpu.memory_space<vmem>>
      %dma_wait3A_175 = tpu.memref_squeeze %dma_wait3A_174 : memref<1x128x64xf32, #tpu.memory_space<vmem>> -> memref<128x64xf32, #tpu.memory_space<vmem>>
      %dma_wait3A_176 = arith.constant 0 : i32
      %dma_wait3A_177 = tpu.memref_slice %arg10[%add3A_158, %dma_wait3A_176] : memref<158x128xi32, #tpu.memory_space<vmem>> -> memref<1x128xi32, #tpu.memory_space<vmem>>
      %dma_wait3A_178 = tpu.memref_squeeze %dma_wait3A_177 : memref<1x128xi32, #tpu.memory_space<vmem>> -> memref<128xi32, #tpu.memory_space<vmem>>
      %dma_wait3A_179 = arith.constant 0 : i32
      %dma_wait3A_180 = arith.constant 0 : i32
      %dma_wait3A_181 = tpu.memref_slice %arg2[%dma_wait3A_179, %dma_wait3A_180] : memref<10000x64xf32, #tpu.memory_space<hbm>> -> memref<10000x64xf32, #tpu.memory_space<hbm>>
      tpu.wait_indirect_dma semaphore(%arg14 : memref<!tpu.dma_semaphore, #tpu.memory_space<semaphore_mem>>) src(%dma_wait3A_181 : memref<10000x64xf32, #tpu.memory_space<hbm>>) dst(%dma_wait3A_175 : memref<128x64xf32, #tpu.memory_space<vmem>>)
      %scan3A_182 = arith.constant 0 : i32
      scf.yield %scan3A_182 : i32
    }
    %scan3A_30 = arith.constant 78 : i32
    %dma_start3A_31 = arith.constant 157 : i32
    %dma_start3A_32 = arith.constant 1 : i32
    %dma_start3A_33 = arith.constant 0 : i32
    %dma_start3A_34 = arith.constant 0 : i32
    %dma_start3A_35 = tpu.memref_slice %arg12[%dma_start3A_32, %dma_start3A_33, %dma_start3A_34] : memref<2x128x64xf32, #tpu.memory_space<vmem>> -> memref<1x128x64xf32, #tpu.memory_space<vmem>>
    %dma_start3A_36 = tpu.memref_squeeze %dma_start3A_35 : memref<1x128x64xf32, #tpu.memory_space<vmem>> -> memref<128x64xf32, #tpu.memory_space<vmem>>
    %dma_start3A_37 = arith.constant 0 : i32
    %dma_start3A_38 = tpu.memref_slice %arg10[%dma_start3A_31, %dma_start3A_37] : memref<158x128xi32, #tpu.memory_space<vmem>> -> memref<1x128xi32, #tpu.memory_space<vmem>>
    %dma_start3A_39 = tpu.memref_squeeze %dma_start3A_38 : memref<1x128xi32, #tpu.memory_space<vmem>> -> memref<128xi32, #tpu.memory_space<vmem>>
    %dma_start3A_40 = arith.constant 0 : i32
    %dma_start3A_41 = arith.constant 0 : i32
    %dma_start3A_42 = tpu.memref_slice %arg2[%dma_start3A_40, %dma_start3A_41] : memref<10000x64xf32, #tpu.memory_space<hbm>> -> memref<10000x64xf32, #tpu.memory_space<hbm>>
    tpu.enqueue_indirect_dma source(%dma_start3A_42 : memref<10000x64xf32, #tpu.memory_space<hbm>>) target(%dma_start3A_36 : memref<128x64xf32, #tpu.memory_space<vmem>>) offsets(%dma_start3A_39 : memref<128xi32, #tpu.memory_space<vmem>>) semaphore(%arg15 : memref<!tpu.dma_semaphore, #tpu.memory_space<semaphore_mem>>)
    %run_scoped3A = arith.constant 0 : i32
    %run_scoped3A_43 = arith.constant 156 : i32
    "tpu.region"() ({
      %run_scoped3A_122 = tpu.sem_alloc : memref<!tpu.dma_semaphore, #tpu.memory_space<semaphore_mem>>
      %dma_start3A_123 = arith.constant 0 : i32
      %dma_start3A_124 = arith.constant 0 : i32
      %dma_start3A_125 = tpu.memref_slice %arg12[%run_scoped3A, %dma_start3A_123, %dma_start3A_124] : memref<2x128x64xf32, #tpu.memory_space<vmem>> -> memref<1x128x64xf32, #tpu.memory_space<vmem>>
      %dma_start3A_126 = tpu.memref_squeeze %dma_start3A_125 : memref<1x128x64xf32, #tpu.memory_space<vmem>> -> memref<128x64xf32, #tpu.memory_space<vmem>>
      %dma_start3A_127 = arith.constant 0 : i32
      %dma_start3A_128 = tpu.memref_slice %arg11[%run_scoped3A_43, %dma_start3A_127] : memref<158x128xi32, #tpu.memory_space<vmem>> -> memref<1x128xi32, #tpu.memory_space<vmem>>
      %dma_start3A_129 = tpu.memref_squeeze %dma_start3A_128 : memref<1x128xi32, #tpu.memory_space<vmem>> -> memref<128xi32, #tpu.memory_space<vmem>>
      %dma_start3A_130 = arith.constant 0 : i32
      %dma_start3A_131 = arith.constant 0 : i32
      %dma_start3A_132 = tpu.memref_slice %arg13[%dma_start3A_130, %dma_start3A_131] : memref<10112x64xf32, #tpu.memory_space<vmem_shared>> -> memref<10112x64xf32, #tpu.memory_space<vmem_shared>>
      tpu.enqueue_indirect_dma source(%dma_start3A_126 : memref<128x64xf32, #tpu.memory_space<vmem>>) target(%dma_start3A_132 : memref<10112x64xf32, #tpu.memory_space<vmem_shared>>) offsets(%dma_start3A_129 : memref<128xi32, #tpu.memory_space<vmem>>) semaphore(%run_scoped3A_122 : memref<!tpu.dma_semaphore, #tpu.memory_space<semaphore_mem>>) {add = true}
      %dma_wait3A_133 = arith.constant 0 : i32
      %dma_wait3A_134 = arith.constant 0 : i32
      %dma_wait3A_135 = tpu.memref_slice %arg12[%run_scoped3A, %dma_wait3A_133, %dma_wait3A_134] : memref<2x128x64xf32, #tpu.memory_space<vmem>> -> memref<1x128x64xf32, #tpu.memory_space<vmem>>
      %dma_wait3A_136 = tpu.memref_squeeze %dma_wait3A_135 : memref<1x128x64xf32, #tpu.memory_space<vmem>> -> memref<128x64xf32, #tpu.memory_space<vmem>>
      %dma_wait3A_137 = arith.constant 0 : i32
      %dma_wait3A_138 = tpu.memref_slice %arg11[%run_scoped3A_43, %dma_wait3A_137] : memref<158x128xi32, #tpu.memory_space<vmem>> -> memref<1x128xi32, #tpu.memory_space<vmem>>
      %dma_wait3A_139 = tpu.memref_squeeze %dma_wait3A_138 : memref<1x128xi32, #tpu.memory_space<vmem>> -> memref<128xi32, #tpu.memory_space<vmem>>
      %dma_wait3A_140 = arith.constant 0 : i32
      %dma_wait3A_141 = arith.constant 0 : i32
      %dma_wait3A_142 = tpu.memref_slice %arg13[%dma_wait3A_140, %dma_wait3A_141] : memref<10112x64xf32, #tpu.memory_space<vmem_shared>> -> memref<10112x64xf32, #tpu.memory_space<vmem_shared>>
      tpu.wait_indirect_dma semaphore(%run_scoped3A_122 : memref<!tpu.dma_semaphore, #tpu.memory_space<semaphore_mem>>) src(%dma_wait3A_136 : memref<128x64xf32, #tpu.memory_space<vmem>>) dst(%dma_wait3A_142 : memref<10112x64xf32, #tpu.memory_space<vmem_shared>>)
      tpu.yield
    }) : () -> ()
    %dma_wait3A_44 = arith.constant 157 : i32
    %dma_wait3A_45 = arith.constant 1 : i32
    %dma_wait3A_46 = arith.constant 0 : i32
    %dma_wait3A_47 = arith.constant 0 : i32
    %dma_wait3A_48 = tpu.memref_slice %arg12[%dma_wait3A_45, %dma_wait3A_46, %dma_wait3A_47] : memref<2x128x64xf32, #tpu.memory_space<vmem>> -> memref<1x128x64xf32, #tpu.memory_space<vmem>>
    %dma_wait3A_49 = tpu.memref_squeeze %dma_wait3A_48 : memref<1x128x64xf32, #tpu.memory_space<vmem>> -> memref<128x64xf32, #tpu.memory_space<vmem>>
    %dma_wait3A_50 = arith.constant 0 : i32
    %dma_wait3A_51 = tpu.memref_slice %arg10[%dma_wait3A_44, %dma_wait3A_50] : memref<158x128xi32, #tpu.memory_space<vmem>> -> memref<1x128xi32, #tpu.memory_space<vmem>>
    %dma_wait3A_52 = tpu.memref_squeeze %dma_wait3A_51 : memref<1x128xi32, #tpu.memory_space<vmem>> -> memref<128xi32, #tpu.memory_space<vmem>>
    %dma_wait3A_53 = arith.constant 0 : i32
    %dma_wait3A_54 = arith.constant 0 : i32
    %dma_wait3A_55 = tpu.memref_slice %arg2[%dma_wait3A_53, %dma_wait3A_54] : memref<10000x64xf32, #tpu.memory_space<hbm>> -> memref<10000x64xf32, #tpu.memory_space<hbm>>
    tpu.wait_indirect_dma semaphore(%arg15 : memref<!tpu.dma_semaphore, #tpu.memory_space<semaphore_mem>>) src(%dma_wait3A_55 : memref<10000x64xf32, #tpu.memory_space<hbm>>) dst(%dma_wait3A_49 : memref<128x64xf32, #tpu.memory_space<vmem>>)
    %run_scoped3A_56 = arith.constant 1 : i32
    %run_scoped3A_57 = arith.constant 157 : i32
    "tpu.region"() ({
      %run_scoped3A_122 = tpu.sem_alloc : memref<!tpu.dma_semaphore, #tpu.memory_space<semaphore_mem>>
      %dma_start3A_123 = arith.constant 0 : i32
      %dma_start3A_124 = arith.constant 0 : i32
      %dma_start3A_125 = tpu.memref_slice %arg12[%run_scoped3A_56, %dma_start3A_123, %dma_start3A_124] : memref<2x128x64xf32, #tpu.memory_space<vmem>> -> memref<1x128x64xf32, #tpu.memory_space<vmem>>
      %dma_start3A_126 = tpu.memref_squeeze %dma_start3A_125 : memref<1x128x64xf32, #tpu.memory_space<vmem>> -> memref<128x64xf32, #tpu.memory_space<vmem>>
      %dma_start3A_127 = arith.constant 0 : i32
      %dma_start3A_128 = tpu.memref_slice %arg11[%run_scoped3A_57, %dma_start3A_127] : memref<158x128xi32, #tpu.memory_space<vmem>> -> memref<1x128xi32, #tpu.memory_space<vmem>>
      %dma_start3A_129 = tpu.memref_squeeze %dma_start3A_128 : memref<1x128xi32, #tpu.memory_space<vmem>> -> memref<128xi32, #tpu.memory_space<vmem>>
      %dma_start3A_130 = arith.constant 0 : i32
      %dma_start3A_131 = arith.constant 0 : i32
      %dma_start3A_132 = tpu.memref_slice %arg13[%dma_start3A_130, %dma_start3A_131] : memref<10112x64xf32, #tpu.memory_space<vmem_shared>> -> memref<10112x64xf32, #tpu.memory_space<vmem_shared>>
      tpu.enqueue_indirect_dma source(%dma_start3A_126 : memref<128x64xf32, #tpu.memory_space<vmem>>) target(%dma_start3A_132 : memref<10112x64xf32, #tpu.memory_space<vmem_shared>>) offsets(%dma_start3A_129 : memref<128xi32, #tpu.memory_space<vmem>>) semaphore(%run_scoped3A_122 : memref<!tpu.dma_semaphore, #tpu.memory_space<semaphore_mem>>) {add = true}
      %dma_wait3A_133 = arith.constant 0 : i32
      %dma_wait3A_134 = arith.constant 0 : i32
      %dma_wait3A_135 = tpu.memref_slice %arg12[%run_scoped3A_56, %dma_wait3A_133, %dma_wait3A_134] : memref<2x128x64xf32, #tpu.memory_space<vmem>> -> memref<1x128x64xf32, #tpu.memory_space<vmem>>
      %dma_wait3A_136 = tpu.memref_squeeze %dma_wait3A_135 : memref<1x128x64xf32, #tpu.memory_space<vmem>> -> memref<128x64xf32, #tpu.memory_space<vmem>>
      %dma_wait3A_137 = arith.constant 0 : i32
      %dma_wait3A_138 = tpu.memref_slice %arg11[%run_scoped3A_57, %dma_wait3A_137] : memref<158x128xi32, #tpu.memory_space<vmem>> -> memref<1x128xi32, #tpu.memory_space<vmem>>
      %dma_wait3A_139 = tpu.memref_squeeze %dma_wait3A_138 : memref<1x128xi32, #tpu.memory_space<vmem>> -> memref<128xi32, #tpu.memory_space<vmem>>
      %dma_wait3A_140 = arith.constant 0 : i32
      %dma_wait3A_141 = arith.constant 0 : i32
      %dma_wait3A_142 = tpu.memref_slice %arg13[%dma_wait3A_140, %dma_wait3A_141] : memref<10112x64xf32, #tpu.memory_space<vmem_shared>> -> memref<10112x64xf32, #tpu.memory_space<vmem_shared>>
      tpu.wait_indirect_dma semaphore(%run_scoped3A_122 : memref<!tpu.dma_semaphore, #tpu.memory_space<semaphore_mem>>) src(%dma_wait3A_136 : memref<128x64xf32, #tpu.memory_space<vmem>>) dst(%dma_wait3A_142 : memref<10112x64xf32, #tpu.memory_space<vmem_shared>>)
      tpu.yield
    }) : () -> ()
    "tpu.region"() ({
      %run_scoped3A_122 = tpu.sem_alloc : memref<!tpu.dma_semaphore, #tpu.memory_space<semaphore_mem>>
      %dma_start3A_123 = arith.constant 0 : i32
      %dma_start3A_124 = arith.constant 0 : i32
      %dma_start3A_125 = tpu.memref_slice %arg6[%add3A, %dma_start3A_123, %dma_start3A_124] : memref<32x158x128xi32, #tpu.memory_space<hbm>> -> memref<1x158x128xi32, #tpu.memory_space<hbm>>
      %dma_start3A_126 = tpu.memref_squeeze %dma_start3A_125 : memref<1x158x128xi32, #tpu.memory_space<hbm>> -> memref<158x128xi32, #tpu.memory_space<hbm>>
      %dma_start3A_127 = arith.constant 0 : i32
      %dma_start3A_128 = arith.constant 0 : i32
      %dma_start3A_129 = tpu.memref_slice %arg6[%add3A, %dma_start3A_127, %dma_start3A_128] : memref<32x158x128xi32, #tpu.memory_space<hbm>> -> memref<1x158x128xi32, #tpu.memory_space<hbm>>
      %dma_start3A_130 = tpu.memref_squeeze %dma_start3A_129 : memref<1x158x128xi32, #tpu.memory_space<hbm>> -> memref<158x128xi32, #tpu.memory_space<hbm>>
      tpu.enqueue_dma source(%dma_start3A_130 : memref<158x128xi32, #tpu.memory_space<hbm>>) target(%arg10 : memref<158x128xi32, #tpu.memory_space<vmem>>) target_semaphore(%run_scoped3A_122 : memref<!tpu.dma_semaphore, #tpu.memory_space<semaphore_mem>>)
      %dma_wait3A_131 = arith.constant 0 : i32
      %dma_wait3A_132 = arith.constant 0 : i32
      %dma_wait3A_133 = tpu.memref_slice %arg6[%add3A, %dma_wait3A_131, %dma_wait3A_132] : memref<32x158x128xi32, #tpu.memory_space<hbm>> -> memref<1x158x128xi32, #tpu.memory_space<hbm>>
      %dma_wait3A_134 = tpu.memref_squeeze %dma_wait3A_133 : memref<1x158x128xi32, #tpu.memory_space<hbm>> -> memref<158x128xi32, #tpu.memory_space<hbm>>
      %dma_wait3A_135 = arith.constant 0 : i32
      %dma_wait3A_136 = arith.constant 0 : i32
      %dma_wait3A_137 = tpu.memref_slice %arg6[%add3A, %dma_wait3A_135, %dma_wait3A_136] : memref<32x158x128xi32, #tpu.memory_space<hbm>> -> memref<1x158x128xi32, #tpu.memory_space<hbm>>
      %dma_wait3A_138 = tpu.memref_squeeze %dma_wait3A_137 : memref<1x158x128xi32, #tpu.memory_space<hbm>> -> memref<158x128xi32, #tpu.memory_space<hbm>>
      tpu.wait_dma2 semaphore(%run_scoped3A_122 : memref<!tpu.dma_semaphore, #tpu.memory_space<semaphore_mem>>) src(%dma_wait3A_138 : memref<158x128xi32, #tpu.memory_space<hbm>>) dst(%arg10 : memref<158x128xi32, #tpu.memory_space<vmem>>)
      tpu.yield
    }) : () -> ()
    "tpu.region"() ({
      %run_scoped3A_122 = tpu.sem_alloc : memref<!tpu.dma_semaphore, #tpu.memory_space<semaphore_mem>>
      %dma_start3A_123 = arith.constant 0 : i32
      %dma_start3A_124 = arith.constant 0 : i32
      %dma_start3A_125 = tpu.memref_slice %arg7[%add3A, %dma_start3A_123, %dma_start3A_124] : memref<32x158x128xi32, #tpu.memory_space<hbm>> -> memref<1x158x128xi32, #tpu.memory_space<hbm>>
      %dma_start3A_126 = tpu.memref_squeeze %dma_start3A_125 : memref<1x158x128xi32, #tpu.memory_space<hbm>> -> memref<158x128xi32, #tpu.memory_space<hbm>>
      %dma_start3A_127 = arith.constant 0 : i32
      %dma_start3A_128 = arith.constant 0 : i32
      %dma_start3A_129 = tpu.memref_slice %arg7[%add3A, %dma_start3A_127, %dma_start3A_128] : memref<32x158x128xi32, #tpu.memory_space<hbm>> -> memref<1x158x128xi32, #tpu.memory_space<hbm>>
      %dma_start3A_130 = tpu.memref_squeeze %dma_start3A_129 : memref<1x158x128xi32, #tpu.memory_space<hbm>> -> memref<158x128xi32, #tpu.memory_space<hbm>>
      tpu.enqueue_dma source(%dma_start3A_130 : memref<158x128xi32, #tpu.memory_space<hbm>>) target(%arg11 : memref<158x128xi32, #tpu.memory_space<vmem>>) target_semaphore(%run_scoped3A_122 : memref<!tpu.dma_semaphore, #tpu.memory_space<semaphore_mem>>)
      %dma_wait3A_131 = arith.constant 0 : i32
      %dma_wait3A_132 = arith.constant 0 : i32
      %dma_wait3A_133 = tpu.memref_slice %arg7[%add3A, %dma_wait3A_131, %dma_wait3A_132] : memref<32x158x128xi32, #tpu.memory_space<hbm>> -> memref<1x158x128xi32, #tpu.memory_space<hbm>>
      %dma_wait3A_134 = tpu.memref_squeeze %dma_wait3A_133 : memref<1x158x128xi32, #tpu.memory_space<hbm>> -> memref<158x128xi32, #tpu.memory_space<hbm>>
      %dma_wait3A_135 = arith.constant 0 : i32
      %dma_wait3A_136 = arith.constant 0 : i32
      %dma_wait3A_137 = tpu.memref_slice %arg7[%add3A, %dma_wait3A_135, %dma_wait3A_136] : memref<32x158x128xi32, #tpu.memory_space<hbm>> -> memref<1x158x128xi32, #tpu.memory_space<hbm>>
      %dma_wait3A_138 = tpu.memref_squeeze %dma_wait3A_137 : memref<1x158x128xi32, #tpu.memory_space<hbm>> -> memref<158x128xi32, #tpu.memory_space<hbm>>
      tpu.wait_dma2 semaphore(%run_scoped3A_122 : memref<!tpu.dma_semaphore, #tpu.memory_space<semaphore_mem>>) src(%dma_wait3A_138 : memref<158x128xi32, #tpu.memory_space<hbm>>) dst(%arg11 : memref<158x128xi32, #tpu.memory_space<vmem>>)
      tpu.yield
    }) : () -> ()
    %dma_start3A_58 = arith.constant 0 : i32
    %dma_start3A_59 = arith.constant 0 : i32
    %dma_start3A_60 = arith.constant 0 : i32
    %dma_start3A_61 = arith.constant 0 : i32
    %dma_start3A_62 = tpu.memref_slice %arg12[%dma_start3A_59, %dma_start3A_60, %dma_start3A_61] : memref<2x128x64xf32, #tpu.memory_space<vmem>> -> memref<1x128x64xf32, #tpu.memory_space<vmem>>
    %dma_start3A_63 = tpu.memref_squeeze %dma_start3A_62 : memref<1x128x64xf32, #tpu.memory_space<vmem>> -> memref<128x64xf32, #tpu.memory_space<vmem>>
    %dma_start3A_64 = arith.constant 0 : i32
    %dma_start3A_65 = tpu.memref_slice %arg10[%dma_start3A_58, %dma_start3A_64] : memref<158x128xi32, #tpu.memory_space<vmem>> -> memref<1x128xi32, #tpu.memory_space<vmem>>
    %dma_start3A_66 = tpu.memref_squeeze %dma_start3A_65 : memref<1x128xi32, #tpu.memory_space<vmem>> -> memref<128xi32, #tpu.memory_space<vmem>>
    %dma_start3A_67 = arith.constant 0 : i32
    %dma_start3A_68 = arith.constant 0 : i32
    %dma_start3A_69 = tpu.memref_slice %arg3[%dma_start3A_67, %dma_start3A_68] : memref<10000x64xf32, #tpu.memory_space<hbm>> -> memref<10000x64xf32, #tpu.memory_space<hbm>>
    tpu.enqueue_indirect_dma source(%dma_start3A_69 : memref<10000x64xf32, #tpu.memory_space<hbm>>) target(%dma_start3A_63 : memref<128x64xf32, #tpu.memory_space<vmem>>) offsets(%dma_start3A_66 : memref<128xi32, #tpu.memory_space<vmem>>) semaphore(%arg14 : memref<!tpu.dma_semaphore, #tpu.memory_space<semaphore_mem>>)
    %dma_wait3A_70 = arith.constant 0 : i32
    %dma_wait3A_71 = arith.constant 0 : i32
    %dma_wait3A_72 = arith.constant 0 : i32
    %dma_wait3A_73 = arith.constant 0 : i32
    %dma_wait3A_74 = tpu.memref_slice %arg12[%dma_wait3A_71, %dma_wait3A_72, %dma_wait3A_73] : memref<2x128x64xf32, #tpu.memory_space<vmem>> -> memref<1x128x64xf32, #tpu.memory_space<vmem>>
    %dma_wait3A_75 = tpu.memref_squeeze %dma_wait3A_74 : memref<1x128x64xf32, #tpu.memory_space<vmem>> -> memref<128x64xf32, #tpu.memory_space<vmem>>
    %dma_wait3A_76 = arith.constant 0 : i32
    %dma_wait3A_77 = tpu.memref_slice %arg10[%dma_wait3A_70, %dma_wait3A_76] : memref<158x128xi32, #tpu.memory_space<vmem>> -> memref<1x128xi32, #tpu.memory_space<vmem>>
    %dma_wait3A_78 = tpu.memref_squeeze %dma_wait3A_77 : memref<1x128xi32, #tpu.memory_space<vmem>> -> memref<128xi32, #tpu.memory_space<vmem>>
    %dma_wait3A_79 = arith.constant 0 : i32
    %dma_wait3A_80 = arith.constant 0 : i32
    %dma_wait3A_81 = tpu.memref_slice %arg3[%dma_wait3A_79, %dma_wait3A_80] : memref<10000x64xf32, #tpu.memory_space<hbm>> -> memref<10000x64xf32, #tpu.memory_space<hbm>>
    tpu.wait_indirect_dma semaphore(%arg14 : memref<!tpu.dma_semaphore, #tpu.memory_space<semaphore_mem>>) src(%dma_wait3A_81 : memref<10000x64xf32, #tpu.memory_space<hbm>>) dst(%dma_wait3A_75 : memref<128x64xf32, #tpu.memory_space<vmem>>)
    %scan3A_82 = arith.constant 0 : i32
    %scan3A_83 = arith.constant 0 : i32
    %scan3A_84 = arith.constant 78 : i32
    %scan3A_85 = arith.addi %scan3A_83, %scan3A_84 : i32
    %scan3A_86 = arith.constant 1 : i32
    %scan3A_87 = scf.for %scan3A_122 = %scan3A_83 to %scan3A_85 step %scan3A_86 iter_args(%scan3A_123 = %scan3A_82) -> (i32)  : i32 {
      %mul3A_124 = arith.constant 2 : i32
      %mul3A_125 = arith.muli %scan3A_122, %mul3A_124 : i32
      %add3A_126 = arith.constant 0 : i32
      %add3A_127 = arith.addi %mul3A_125, %add3A_126 : i32
      %add3A_128 = arith.constant 1 : i32
      %add3A_129 = arith.addi %add3A_127, %add3A_128 : i32
      %dma_start3A_130 = arith.constant 1 : i32
      %dma_start3A_131 = arith.constant 0 : i32
      %dma_start3A_132 = arith.constant 0 : i32
      %dma_start3A_133 = tpu.memref_slice %arg12[%dma_start3A_130, %dma_start3A_131, %dma_start3A_132] : memref<2x128x64xf32, #tpu.memory_space<vmem>> -> memref<1x128x64xf32, #tpu.memory_space<vmem>>
      %dma_start3A_134 = tpu.memref_squeeze %dma_start3A_133 : memref<1x128x64xf32, #tpu.memory_space<vmem>> -> memref<128x64xf32, #tpu.memory_space<vmem>>
      %dma_start3A_135 = arith.constant 0 : i32
      %dma_start3A_136 = tpu.memref_slice %arg10[%add3A_129, %dma_start3A_135] : memref<158x128xi32, #tpu.memory_space<vmem>> -> memref<1x128xi32, #tpu.memory_space<vmem>>
      %dma_start3A_137 = tpu.memref_squeeze %dma_start3A_136 : memref<1x128xi32, #tpu.memory_space<vmem>> -> memref<128xi32, #tpu.memory_space<vmem>>
      %dma_start3A_138 = arith.constant 0 : i32
      %dma_start3A_139 = arith.constant 0 : i32
      %dma_start3A_140 = tpu.memref_slice %arg3[%dma_start3A_138, %dma_start3A_139] : memref<10000x64xf32, #tpu.memory_space<hbm>> -> memref<10000x64xf32, #tpu.memory_space<hbm>>
      tpu.enqueue_indirect_dma source(%dma_start3A_140 : memref<10000x64xf32, #tpu.memory_space<hbm>>) target(%dma_start3A_134 : memref<128x64xf32, #tpu.memory_space<vmem>>) offsets(%dma_start3A_137 : memref<128xi32, #tpu.memory_space<vmem>>) semaphore(%arg15 : memref<!tpu.dma_semaphore, #tpu.memory_space<semaphore_mem>>)
      %run_scoped3A_141 = arith.constant 0 : i32
      "tpu.region"() ({
        %run_scoped3A_183 = tpu.sem_alloc : memref<!tpu.dma_semaphore, #tpu.memory_space<semaphore_mem>>
        %dma_start3A_184 = arith.constant 0 : i32
        %dma_start3A_185 = arith.constant 0 : i32
        %dma_start3A_186 = tpu.memref_slice %arg12[%run_scoped3A_141, %dma_start3A_184, %dma_start3A_185] : memref<2x128x64xf32, #tpu.memory_space<vmem>> -> memref<1x128x64xf32, #tpu.memory_space<vmem>>
        %dma_start3A_187 = tpu.memref_squeeze %dma_start3A_186 : memref<1x128x64xf32, #tpu.memory_space<vmem>> -> memref<128x64xf32, #tpu.memory_space<vmem>>
        %dma_start3A_188 = arith.constant 0 : i32
        %dma_start3A_189 = tpu.memref_slice %arg11[%add3A_127, %dma_start3A_188] : memref<158x128xi32, #tpu.memory_space<vmem>> -> memref<1x128xi32, #tpu.memory_space<vmem>>
        %dma_start3A_190 = tpu.memref_squeeze %dma_start3A_189 : memref<1x128xi32, #tpu.memory_space<vmem>> -> memref<128xi32, #tpu.memory_space<vmem>>
        %dma_start3A_191 = arith.constant 0 : i32
        %dma_start3A_192 = arith.constant 0 : i32
        %dma_start3A_193 = tpu.memref_slice %arg13[%dma_start3A_191, %dma_start3A_192] : memref<10112x64xf32, #tpu.memory_space<vmem_shared>> -> memref<10112x64xf32, #tpu.memory_space<vmem_shared>>
        tpu.enqueue_indirect_dma source(%dma_start3A_187 : memref<128x64xf32, #tpu.memory_space<vmem>>) target(%dma_start3A_193 : memref<10112x64xf32, #tpu.memory_space<vmem_shared>>) offsets(%dma_start3A_190 : memref<128xi32, #tpu.memory_space<vmem>>) semaphore(%run_scoped3A_183 : memref<!tpu.dma_semaphore, #tpu.memory_space<semaphore_mem>>) {add = true}
        %dma_wait3A_194 = arith.constant 0 : i32
        %dma_wait3A_195 = arith.constant 0 : i32
        %dma_wait3A_196 = tpu.memref_slice %arg12[%run_scoped3A_141, %dma_wait3A_194, %dma_wait3A_195] : memref<2x128x64xf32, #tpu.memory_space<vmem>> -> memref<1x128x64xf32, #tpu.memory_space<vmem>>
        %dma_wait3A_197 = tpu.memref_squeeze %dma_wait3A_196 : memref<1x128x64xf32, #tpu.memory_space<vmem>> -> memref<128x64xf32, #tpu.memory_space<vmem>>
        %dma_wait3A_198 = arith.constant 0 : i32
        %dma_wait3A_199 = tpu.memref_slice %arg11[%add3A_127, %dma_wait3A_198] : memref<158x128xi32, #tpu.memory_space<vmem>> -> memref<1x128xi32, #tpu.memory_space<vmem>>
        %dma_wait3A_200 = tpu.memref_squeeze %dma_wait3A_199 : memref<1x128xi32, #tpu.memory_space<vmem>> -> memref<128xi32, #tpu.memory_space<vmem>>
        %dma_wait3A_201 = arith.constant 0 : i32
        %dma_wait3A_202 = arith.constant 0 : i32
        %dma_wait3A_203 = tpu.memref_slice %arg13[%dma_wait3A_201, %dma_wait3A_202] : memref<10112x64xf32, #tpu.memory_space<vmem_shared>> -> memref<10112x64xf32, #tpu.memory_space<vmem_shared>>
        tpu.wait_indirect_dma semaphore(%run_scoped3A_183 : memref<!tpu.dma_semaphore, #tpu.memory_space<semaphore_mem>>) src(%dma_wait3A_197 : memref<128x64xf32, #tpu.memory_space<vmem>>) dst(%dma_wait3A_203 : memref<10112x64xf32, #tpu.memory_space<vmem_shared>>)
        tpu.yield
      }) : () -> ()
      %dma_wait3A_142 = arith.constant 1 : i32
      %dma_wait3A_143 = arith.constant 0 : i32
      %dma_wait3A_144 = arith.constant 0 : i32
      %dma_wait3A_145 = tpu.memref_slice %arg12[%dma_wait3A_142, %dma_wait3A_143, %dma_wait3A_144] : memref<2x128x64xf32, #tpu.memory_space<vmem>> -> memref<1x128x64xf32, #tpu.memory_space<vmem>>
      %dma_wait3A_146 = tpu.memref_squeeze %dma_wait3A_145 : memref<1x128x64xf32, #tpu.memory_space<vmem>> -> memref<128x64xf32, #tpu.memory_space<vmem>>
      %dma_wait3A_147 = arith.constant 0 : i32
      %dma_wait3A_148 = tpu.memref_slice %arg10[%add3A_129, %dma_wait3A_147] : memref<158x128xi32, #tpu.memory_space<vmem>> -> memref<1x128xi32, #tpu.memory_space<vmem>>
      %dma_wait3A_149 = tpu.memref_squeeze %dma_wait3A_148 : memref<1x128xi32, #tpu.memory_space<vmem>> -> memref<128xi32, #tpu.memory_space<vmem>>
      %dma_wait3A_150 = arith.constant 0 : i32
      %dma_wait3A_151 = arith.constant 0 : i32
      %dma_wait3A_152 = tpu.memref_slice %arg3[%dma_wait3A_150, %dma_wait3A_151] : memref<10000x64xf32, #tpu.memory_space<hbm>> -> memref<10000x64xf32, #tpu.memory_space<hbm>>
      tpu.wait_indirect_dma semaphore(%arg15 : memref<!tpu.dma_semaphore, #tpu.memory_space<semaphore_mem>>) src(%dma_wait3A_152 : memref<10000x64xf32, #tpu.memory_space<hbm>>) dst(%dma_wait3A_146 : memref<128x64xf32, #tpu.memory_space<vmem>>)
      %mul3A_153 = arith.constant 2 : i32
      %mul3A_154 = arith.muli %scan3A_122, %mul3A_153 : i32
      %add3A_155 = arith.constant 1 : i32
      %add3A_156 = arith.addi %mul3A_154, %add3A_155 : i32
      %add3A_157 = arith.constant 1 : i32
      %add3A_158 = arith.addi %add3A_156, %add3A_157 : i32
      %dma_start3A_159 = arith.constant 0 : i32
      %dma_start3A_160 = arith.constant 0 : i32
      %dma_start3A_161 = arith.constant 0 : i32
      %dma_start3A_162 = tpu.memref_slice %arg12[%dma_start3A_159, %dma_start3A_160, %dma_start3A_161] : memref<2x128x64xf32, #tpu.memory_space<vmem>> -> memref<1x128x64xf32, #tpu.memory_space<vmem>>
      %dma_start3A_163 = tpu.memref_squeeze %dma_start3A_162 : memref<1x128x64xf32, #tpu.memory_space<vmem>> -> memref<128x64xf32, #tpu.memory_space<vmem>>
      %dma_start3A_164 = arith.constant 0 : i32
      %dma_start3A_165 = tpu.memref_slice %arg10[%add3A_158, %dma_start3A_164] : memref<158x128xi32, #tpu.memory_space<vmem>> -> memref<1x128xi32, #tpu.memory_space<vmem>>
      %dma_start3A_166 = tpu.memref_squeeze %dma_start3A_165 : memref<1x128xi32, #tpu.memory_space<vmem>> -> memref<128xi32, #tpu.memory_space<vmem>>
      %dma_start3A_167 = arith.constant 0 : i32
      %dma_start3A_168 = arith.constant 0 : i32
      %dma_start3A_169 = tpu.memref_slice %arg3[%dma_start3A_167, %dma_start3A_168] : memref<10000x64xf32, #tpu.memory_space<hbm>> -> memref<10000x64xf32, #tpu.memory_space<hbm>>
      tpu.enqueue_indirect_dma source(%dma_start3A_169 : memref<10000x64xf32, #tpu.memory_space<hbm>>) target(%dma_start3A_163 : memref<128x64xf32, #tpu.memory_space<vmem>>) offsets(%dma_start3A_166 : memref<128xi32, #tpu.memory_space<vmem>>) semaphore(%arg14 : memref<!tpu.dma_semaphore, #tpu.memory_space<semaphore_mem>>)
      %run_scoped3A_170 = arith.constant 1 : i32
      "tpu.region"() ({
        %run_scoped3A_183 = tpu.sem_alloc : memref<!tpu.dma_semaphore, #tpu.memory_space<semaphore_mem>>
        %dma_start3A_184 = arith.constant 0 : i32
        %dma_start3A_185 = arith.constant 0 : i32
        %dma_start3A_186 = tpu.memref_slice %arg12[%run_scoped3A_170, %dma_start3A_184, %dma_start3A_185] : memref<2x128x64xf32, #tpu.memory_space<vmem>> -> memref<1x128x64xf32, #tpu.memory_space<vmem>>
        %dma_start3A_187 = tpu.memref_squeeze %dma_start3A_186 : memref<1x128x64xf32, #tpu.memory_space<vmem>> -> memref<128x64xf32, #tpu.memory_space<vmem>>
        %dma_start3A_188 = arith.constant 0 : i32
        %dma_start3A_189 = tpu.memref_slice %arg11[%add3A_156, %dma_start3A_188] : memref<158x128xi32, #tpu.memory_space<vmem>> -> memref<1x128xi32, #tpu.memory_space<vmem>>
        %dma_start3A_190 = tpu.memref_squeeze %dma_start3A_189 : memref<1x128xi32, #tpu.memory_space<vmem>> -> memref<128xi32, #tpu.memory_space<vmem>>
        %dma_start3A_191 = arith.constant 0 : i32
        %dma_start3A_192 = arith.constant 0 : i32
        %dma_start3A_193 = tpu.memref_slice %arg13[%dma_start3A_191, %dma_start3A_192] : memref<10112x64xf32, #tpu.memory_space<vmem_shared>> -> memref<10112x64xf32, #tpu.memory_space<vmem_shared>>
        tpu.enqueue_indirect_dma source(%dma_start3A_187 : memref<128x64xf32, #tpu.memory_space<vmem>>) target(%dma_start3A_193 : memref<10112x64xf32, #tpu.memory_space<vmem_shared>>) offsets(%dma_start3A_190 : memref<128xi32, #tpu.memory_space<vmem>>) semaphore(%run_scoped3A_183 : memref<!tpu.dma_semaphore, #tpu.memory_space<semaphore_mem>>) {add = true}
        %dma_wait3A_194 = arith.constant 0 : i32
        %dma_wait3A_195 = arith.constant 0 : i32
        %dma_wait3A_196 = tpu.memref_slice %arg12[%run_scoped3A_170, %dma_wait3A_194, %dma_wait3A_195] : memref<2x128x64xf32, #tpu.memory_space<vmem>> -> memref<1x128x64xf32, #tpu.memory_space<vmem>>
        %dma_wait3A_197 = tpu.memref_squeeze %dma_wait3A_196 : memref<1x128x64xf32, #tpu.memory_space<vmem>> -> memref<128x64xf32, #tpu.memory_space<vmem>>
        %dma_wait3A_198 = arith.constant 0 : i32
        %dma_wait3A_199 = tpu.memref_slice %arg11[%add3A_156, %dma_wait3A_198] : memref<158x128xi32, #tpu.memory_space<vmem>> -> memref<1x128xi32, #tpu.memory_space<vmem>>
        %dma_wait3A_200 = tpu.memref_squeeze %dma_wait3A_199 : memref<1x128xi32, #tpu.memory_space<vmem>> -> memref<128xi32, #tpu.memory_space<vmem>>
        %dma_wait3A_201 = arith.constant 0 : i32
        %dma_wait3A_202 = arith.constant 0 : i32
        %dma_wait3A_203 = tpu.memref_slice %arg13[%dma_wait3A_201, %dma_wait3A_202] : memref<10112x64xf32, #tpu.memory_space<vmem_shared>> -> memref<10112x64xf32, #tpu.memory_space<vmem_shared>>
        tpu.wait_indirect_dma semaphore(%run_scoped3A_183 : memref<!tpu.dma_semaphore, #tpu.memory_space<semaphore_mem>>) src(%dma_wait3A_197 : memref<128x64xf32, #tpu.memory_space<vmem>>) dst(%dma_wait3A_203 : memref<10112x64xf32, #tpu.memory_space<vmem_shared>>)
        tpu.yield
      }) : () -> ()
      %dma_wait3A_171 = arith.constant 0 : i32
      %dma_wait3A_172 = arith.constant 0 : i32
      %dma_wait3A_173 = arith.constant 0 : i32
      %dma_wait3A_174 = tpu.memref_slice %arg12[%dma_wait3A_171, %dma_wait3A_172, %dma_wait3A_173] : memref<2x128x64xf32, #tpu.memory_space<vmem>> -> memref<1x128x64xf32, #tpu.memory_space<vmem>>
      %dma_wait3A_175 = tpu.memref_squeeze %dma_wait3A_174 : memref<1x128x64xf32, #tpu.memory_space<vmem>> -> memref<128x64xf32, #tpu.memory_space<vmem>>
      %dma_wait3A_176 = arith.constant 0 : i32
      %dma_wait3A_177 = tpu.memref_slice %arg10[%add3A_158, %dma_wait3A_176] : memref<158x128xi32, #tpu.memory_space<vmem>> -> memref<1x128xi32, #tpu.memory_space<vmem>>
      %dma_wait3A_178 = tpu.memref_squeeze %dma_wait3A_177 : memref<1x128xi32, #tpu.memory_space<vmem>> -> memref<128xi32, #tpu.memory_space<vmem>>
      %dma_wait3A_179 = arith.constant 0 : i32
      %dma_wait3A_180 = arith.constant 0 : i32
      %dma_wait3A_181 = tpu.memref_slice %arg3[%dma_wait3A_179, %dma_wait3A_180] : memref<10000x64xf32, #tpu.memory_space<hbm>> -> memref<10000x64xf32, #tpu.memory_space<hbm>>
      tpu.wait_indirect_dma semaphore(%arg14 : memref<!tpu.dma_semaphore, #tpu.memory_space<semaphore_mem>>) src(%dma_wait3A_181 : memref<10000x64xf32, #tpu.memory_space<hbm>>) dst(%dma_wait3A_175 : memref<128x64xf32, #tpu.memory_space<vmem>>)
      %scan3A_182 = arith.constant 0 : i32
      scf.yield %scan3A_182 : i32
    }
    %scan3A_88 = arith.constant 78 : i32
    %dma_start3A_89 = arith.constant 157 : i32
    %dma_start3A_90 = arith.constant 1 : i32
    %dma_start3A_91 = arith.constant 0 : i32
    %dma_start3A_92 = arith.constant 0 : i32
    %dma_start3A_93 = tpu.memref_slice %arg12[%dma_start3A_90, %dma_start3A_91, %dma_start3A_92] : memref<2x128x64xf32, #tpu.memory_space<vmem>> -> memref<1x128x64xf32, #tpu.memory_space<vmem>>
    %dma_start3A_94 = tpu.memref_squeeze %dma_start3A_93 : memref<1x128x64xf32, #tpu.memory_space<vmem>> -> memref<128x64xf32, #tpu.memory_space<vmem>>
    %dma_start3A_95 = arith.constant 0 : i32
    %dma_start3A_96 = tpu.memref_slice %arg10[%dma_start3A_89, %dma_start3A_95] : memref<158x128xi32, #tpu.memory_space<vmem>> -> memref<1x128xi32, #tpu.memory_space<vmem>>
    %dma_start3A_97 = tpu.memref_squeeze %dma_start3A_96 : memref<1x128xi32, #tpu.memory_space<vmem>> -> memref<128xi32, #tpu.memory_space<vmem>>
    %dma_start3A_98 = arith.constant 0 : i32
    %dma_start3A_99 = arith.constant 0 : i32
    %dma_start3A_100 = tpu.memref_slice %arg3[%dma_start3A_98, %dma_start3A_99] : memref<10000x64xf32, #tpu.memory_space<hbm>> -> memref<10000x64xf32, #tpu.memory_space<hbm>>
    tpu.enqueue_indirect_dma source(%dma_start3A_100 : memref<10000x64xf32, #tpu.memory_space<hbm>>) target(%dma_start3A_94 : memref<128x64xf32, #tpu.memory_space<vmem>>) offsets(%dma_start3A_97 : memref<128xi32, #tpu.memory_space<vmem>>) semaphore(%arg15 : memref<!tpu.dma_semaphore, #tpu.memory_space<semaphore_mem>>)
    %run_scoped3A_101 = arith.constant 0 : i32
    %run_scoped3A_102 = arith.constant 156 : i32
    "tpu.region"() ({
      %run_scoped3A_122 = tpu.sem_alloc : memref<!tpu.dma_semaphore, #tpu.memory_space<semaphore_mem>>
      %dma_start3A_123 = arith.constant 0 : i32
      %dma_start3A_124 = arith.constant 0 : i32
      %dma_start3A_125 = tpu.memref_slice %arg12[%run_scoped3A_101, %dma_start3A_123, %dma_start3A_124] : memref<2x128x64xf32, #tpu.memory_space<vmem>> -> memref<1x128x64xf32, #tpu.memory_space<vmem>>
      %dma_start3A_126 = tpu.memref_squeeze %dma_start3A_125 : memref<1x128x64xf32, #tpu.memory_space<vmem>> -> memref<128x64xf32, #tpu.memory_space<vmem>>
      %dma_start3A_127 = arith.constant 0 : i32
      %dma_start3A_128 = tpu.memref_slice %arg11[%run_scoped3A_102, %dma_start3A_127] : memref<158x128xi32, #tpu.memory_space<vmem>> -> memref<1x128xi32, #tpu.memory_space<vmem>>
      %dma_start3A_129 = tpu.memref_squeeze %dma_start3A_128 : memref<1x128xi32, #tpu.memory_space<vmem>> -> memref<128xi32, #tpu.memory_space<vmem>>
      %dma_start3A_130 = arith.constant 0 : i32
      %dma_start3A_131 = arith.constant 0 : i32
      %dma_start3A_132 = tpu.memref_slice %arg13[%dma_start3A_130, %dma_start3A_131] : memref<10112x64xf32, #tpu.memory_space<vmem_shared>> -> memref<10112x64xf32, #tpu.memory_space<vmem_shared>>
      tpu.enqueue_indirect_dma source(%dma_start3A_126 : memref<128x64xf32, #tpu.memory_space<vmem>>) target(%dma_start3A_132 : memref<10112x64xf32, #tpu.memory_space<vmem_shared>>) offsets(%dma_start3A_129 : memref<128xi32, #tpu.memory_space<vmem>>) semaphore(%run_scoped3A_122 : memref<!tpu.dma_semaphore, #tpu.memory_space<semaphore_mem>>) {add = true}
      %dma_wait3A_133 = arith.constant 0 : i32
      %dma_wait3A_134 = arith.constant 0 : i32
      %dma_wait3A_135 = tpu.memref_slice %arg12[%run_scoped3A_101, %dma_wait3A_133, %dma_wait3A_134] : memref<2x128x64xf32, #tpu.memory_space<vmem>> -> memref<1x128x64xf32, #tpu.memory_space<vmem>>
      %dma_wait3A_136 = tpu.memref_squeeze %dma_wait3A_135 : memref<1x128x64xf32, #tpu.memory_space<vmem>> -> memref<128x64xf32, #tpu.memory_space<vmem>>
      %dma_wait3A_137 = arith.constant 0 : i32
      %dma_wait3A_138 = tpu.memref_slice %arg11[%run_scoped3A_102, %dma_wait3A_137] : memref<158x128xi32, #tpu.memory_space<vmem>> -> memref<1x128xi32, #tpu.memory_space<vmem>>
      %dma_wait3A_139 = tpu.memref_squeeze %dma_wait3A_138 : memref<1x128xi32, #tpu.memory_space<vmem>> -> memref<128xi32, #tpu.memory_space<vmem>>
      %dma_wait3A_140 = arith.constant 0 : i32
      %dma_wait3A_141 = arith.constant 0 : i32
      %dma_wait3A_142 = tpu.memref_slice %arg13[%dma_wait3A_140, %dma_wait3A_141] : memref<10112x64xf32, #tpu.memory_space<vmem_shared>> -> memref<10112x64xf32, #tpu.memory_space<vmem_shared>>
      tpu.wait_indirect_dma semaphore(%run_scoped3A_122 : memref<!tpu.dma_semaphore, #tpu.memory_space<semaphore_mem>>) src(%dma_wait3A_136 : memref<128x64xf32, #tpu.memory_space<vmem>>) dst(%dma_wait3A_142 : memref<10112x64xf32, #tpu.memory_space<vmem_shared>>)
      tpu.yield
    }) : () -> ()
    %dma_wait3A_103 = arith.constant 157 : i32
    %dma_wait3A_104 = arith.constant 1 : i32
    %dma_wait3A_105 = arith.constant 0 : i32
    %dma_wait3A_106 = arith.constant 0 : i32
    %dma_wait3A_107 = tpu.memref_slice %arg12[%dma_wait3A_104, %dma_wait3A_105, %dma_wait3A_106] : memref<2x128x64xf32, #tpu.memory_space<vmem>> -> memref<1x128x64xf32, #tpu.memory_space<vmem>>
    %dma_wait3A_108 = tpu.memref_squeeze %dma_wait3A_107 : memref<1x128x64xf32, #tpu.memory_space<vmem>> -> memref<128x64xf32, #tpu.memory_space<vmem>>
    %dma_wait3A_109 = arith.constant 0 : i32
    %dma_wait3A_110 = tpu.memref_slice %arg10[%dma_wait3A_103, %dma_wait3A_109] : memref<158x128xi32, #tpu.memory_space<vmem>> -> memref<1x128xi32, #tpu.memory_space<vmem>>
    %dma_wait3A_111 = tpu.memref_squeeze %dma_wait3A_110 : memref<1x128xi32, #tpu.memory_space<vmem>> -> memref<128xi32, #tpu.memory_space<vmem>>
    %dma_wait3A_112 = arith.constant 0 : i32
    %dma_wait3A_113 = arith.constant 0 : i32
    %dma_wait3A_114 = tpu.memref_slice %arg3[%dma_wait3A_112, %dma_wait3A_113] : memref<10000x64xf32, #tpu.memory_space<hbm>> -> memref<10000x64xf32, #tpu.memory_space<hbm>>
    tpu.wait_indirect_dma semaphore(%arg15 : memref<!tpu.dma_semaphore, #tpu.memory_space<semaphore_mem>>) src(%dma_wait3A_114 : memref<10000x64xf32, #tpu.memory_space<hbm>>) dst(%dma_wait3A_108 : memref<128x64xf32, #tpu.memory_space<vmem>>)
    %run_scoped3A_115 = arith.constant 1 : i32
    %run_scoped3A_116 = arith.constant 157 : i32
    "tpu.region"() ({
      %run_scoped3A_122 = tpu.sem_alloc : memref<!tpu.dma_semaphore, #tpu.memory_space<semaphore_mem>>
      %dma_start3A_123 = arith.constant 0 : i32
      %dma_start3A_124 = arith.constant 0 : i32
      %dma_start3A_125 = tpu.memref_slice %arg12[%run_scoped3A_115, %dma_start3A_123, %dma_start3A_124] : memref<2x128x64xf32, #tpu.memory_space<vmem>> -> memref<1x128x64xf32, #tpu.memory_space<vmem>>
      %dma_start3A_126 = tpu.memref_squeeze %dma_start3A_125 : memref<1x128x64xf32, #tpu.memory_space<vmem>> -> memref<128x64xf32, #tpu.memory_space<vmem>>
      %dma_start3A_127 = arith.constant 0 : i32
      %dma_start3A_128 = tpu.memref_slice %arg11[%run_scoped3A_116, %dma_start3A_127] : memref<158x128xi32, #tpu.memory_space<vmem>> -> memref<1x128xi32, #tpu.memory_space<vmem>>
      %dma_start3A_129 = tpu.memref_squeeze %dma_start3A_128 : memref<1x128xi32, #tpu.memory_space<vmem>> -> memref<128xi32, #tpu.memory_space<vmem>>
      %dma_start3A_130 = arith.constant 0 : i32
      %dma_start3A_131 = arith.constant 0 : i32
      %dma_start3A_132 = tpu.memref_slice %arg13[%dma_start3A_130, %dma_start3A_131] : memref<10112x64xf32, #tpu.memory_space<vmem_shared>> -> memref<10112x64xf32, #tpu.memory_space<vmem_shared>>
      tpu.enqueue_indirect_dma source(%dma_start3A_126 : memref<128x64xf32, #tpu.memory_space<vmem>>) target(%dma_start3A_132 : memref<10112x64xf32, #tpu.memory_space<vmem_shared>>) offsets(%dma_start3A_129 : memref<128xi32, #tpu.memory_space<vmem>>) semaphore(%run_scoped3A_122 : memref<!tpu.dma_semaphore, #tpu.memory_space<semaphore_mem>>) {add = true}
      %dma_wait3A_133 = arith.constant 0 : i32
      %dma_wait3A_134 = arith.constant 0 : i32
      %dma_wait3A_135 = tpu.memref_slice %arg12[%run_scoped3A_115, %dma_wait3A_133, %dma_wait3A_134] : memref<2x128x64xf32, #tpu.memory_space<vmem>> -> memref<1x128x64xf32, #tpu.memory_space<vmem>>
      %dma_wait3A_136 = tpu.memref_squeeze %dma_wait3A_135 : memref<1x128x64xf32, #tpu.memory_space<vmem>> -> memref<128x64xf32, #tpu.memory_space<vmem>>
      %dma_wait3A_137 = arith.constant 0 : i32
      %dma_wait3A_138 = tpu.memref_slice %arg11[%run_scoped3A_116, %dma_wait3A_137] : memref<158x128xi32, #tpu.memory_space<vmem>> -> memref<1x128xi32, #tpu.memory_space<vmem>>
      %dma_wait3A_139 = tpu.memref_squeeze %dma_wait3A_138 : memref<1x128xi32, #tpu.memory_space<vmem>> -> memref<128xi32, #tpu.memory_space<vmem>>
      %dma_wait3A_140 = arith.constant 0 : i32
      %dma_wait3A_141 = arith.constant 0 : i32
      %dma_wait3A_142 = tpu.memref_slice %arg13[%dma_wait3A_140, %dma_wait3A_141] : memref<10112x64xf32, #tpu.memory_space<vmem_shared>> -> memref<10112x64xf32, #tpu.memory_space<vmem_shared>>
      tpu.wait_indirect_dma semaphore(%run_scoped3A_122 : memref<!tpu.dma_semaphore, #tpu.memory_space<semaphore_mem>>) src(%dma_wait3A_136 : memref<128x64xf32, #tpu.memory_space<vmem>>) dst(%dma_wait3A_142 : memref<10112x64xf32, #tpu.memory_space<vmem_shared>>)
      tpu.yield
    }) : () -> ()
    %barrier3A_117 = arith.constant 0 : index
    tpu.barrier barrier_id(%barrier3A_117)
    %mul3A_118 = arith.constant 632 : i32
    %mul3A_119 = arith.muli %arg1, %mul3A_118 : i32
    %mul3A_120 = arith.constant 632 : i32
    %mul3A_121 = arith.muli %arg1, %mul3A_120 : i32
    "tpu.region"() ({
      %run_scoped3A_122 = tpu.sem_alloc : memref<!tpu.dma_semaphore, #tpu.memory_space<semaphore_mem>>
      %dma_start3A_123 = arith.constant 0 : i32
      %dma_start3A_124 = tpu.memref_slice %arg9[%arg0, %mul3A_121, %dma_start3A_123] : memref<2x10112x64xf32, #tpu.memory_space<hbm>> -> memref<1x632x64xf32, #tpu.memory_space<hbm>>
      %dma_start3A_125 = tpu.memref_squeeze %dma_start3A_124 : memref<1x632x64xf32, #tpu.memory_space<hbm>> -> memref<632x64xf32, #tpu.memory_space<hbm>>
      %dma_start3A_126 = arith.constant 0 : i32
      %dma_start3A_127 = tpu.memref_slice %arg13[%mul3A_119, %dma_start3A_126] : memref<10112x64xf32, #tpu.memory_space<vmem_shared>> -> memref<632x64xf32, #tpu.memory_space<vmem_shared>>
      tpu.enqueue_dma source(%dma_start3A_127 : memref<632x64xf32, #tpu.memory_space<vmem_shared>>) target(%dma_start3A_125 : memref<632x64xf32, #tpu.memory_space<hbm>>) target_semaphore(%run_scoped3A_122 : memref<!tpu.dma_semaphore, #tpu.memory_space<semaphore_mem>>)
      %dma_wait3A_128 = arith.constant 0 : i32
      %dma_wait3A_129 = tpu.memref_slice %arg9[%arg0, %mul3A_121, %dma_wait3A_128] : memref<2x10112x64xf32, #tpu.memory_space<hbm>> -> memref<1x632x64xf32, #tpu.memory_space<hbm>>
      %dma_wait3A_130 = tpu.memref_squeeze %dma_wait3A_129 : memref<1x632x64xf32, #tpu.memory_space<hbm>> -> memref<632x64xf32, #tpu.memory_space<hbm>>
      %dma_wait3A_131 = arith.constant 0 : i32
      %dma_wait3A_132 = tpu.memref_slice %arg13[%mul3A_119, %dma_wait3A_131] : memref<10112x64xf32, #tpu.memory_space<vmem_shared>> -> memref<632x64xf32, #tpu.memory_space<vmem_shared>>
      tpu.wait_dma2 semaphore(%run_scoped3A_122 : memref<!tpu.dma_semaphore, #tpu.memory_space<semaphore_mem>>) src(%dma_wait3A_132 : memref<632x64xf32, #tpu.memory_space<vmem_shared>>) dst(%dma_wait3A_130 : memref<632x64xf32, #tpu.memory_space<hbm>>)
      tpu.yield
    }) : () -> ()
    return
  }
}

module attributes {stable_mosaic.version = 14 : i64} {
  func.func @_exp_body(%arg0: memref<10000x128xf32, #tpu.memory_space<vmem>>, %arg1: memref<10000x64xf32, #tpu.memory_space<vmem>>, %arg2: memref<10000x64xf32, #tpu.memory_space<vmem>>) attributes {dimension_semantics = [], scalar_prefetch = 0 : i64, scratch_operands = 0 : i64, tpu.core_type = #tpu.core_type<tc>} {
    %get3A = arith.constant 0 : index
    %get3A_0 = arith.constant 0 : index
    %get3A_1 = vector.load %arg0[%get3A, %get3A_0] : memref<10000x128xf32, #tpu.memory_space<vmem>>, vector<10000x128xf32>
    %slice3A = vector.extract_strided_slice %get3A_1 {offsets = [0, 0], sizes = [10000, 64], strides = [1, 1]} : vector<10000x128xf32> to vector<10000x64xf32>
    %exp3A = math.exp %slice3A : vector<10000x64xf32>
    %swap3A = arith.constant 0 : index
    %swap3A_2 = arith.constant 0 : index
    %swap3A_3 = vector.load %arg1[%swap3A, %swap3A_2] : memref<10000x64xf32, #tpu.memory_space<vmem>>, vector<10000x64xf32>
    tpu.vector_store %arg1[%swap3A, %swap3A_2], %exp3A {strides = array<i32>} : memref<10000x64xf32, #tpu.memory_space<vmem>>, vector<10000x64xf32>,
    %slice3A_4 = vector.extract_strided_slice %get3A_1 {offsets = [0, 64], sizes = [10000, 64], strides = [1, 1]} : vector<10000x128xf32> to vector<10000x64xf32>
    %exp3A_5 = math.exp %slice3A_4 : vector<10000x64xf32>
    %swap3A_6 = arith.constant 0 : index
    %swap3A_7 = arith.constant 0 : index
    %swap3A_8 = vector.load %arg2[%swap3A_6, %swap3A_7] : memref<10000x64xf32, #tpu.memory_space<vmem>>, vector<10000x64xf32>
    tpu.vector_store %arg2[%swap3A_6, %swap3A_7], %exp3A_5 {strides = array<i32>} : memref<10000x64xf32, #tpu.memory_space<vmem>>, vector<10000x64xf32>,
    return
  }
}

module attributes {stable_mosaic.version = 14 : i64} {
  func.func @_merge_body(%arg0: memref<2x10112x64xf32, #tpu.memory_space<vmem>>, %arg1: memref<10000x64xf32, #tpu.memory_space<vmem>>) attributes {dimension_semantics = [], scalar_prefetch = 0 : i64, scratch_operands = 0 : i64, tpu.core_type = #tpu.core_type<tc>} {
    %get3A = arith.constant 0 : index
    %get3A_0 = arith.constant 0 : index
    %get3A_1 = arith.constant 0 : index
    %get3A_2 = vector.load %arg0[%get3A, %get3A_0, %get3A_1] : memref<2x10112x64xf32, #tpu.memory_space<vmem>>, vector<1x10000x64xf32>
    %get3A_3 = vector.shape_cast %get3A_2 : vector<1x10000x64xf32> to vector<10000x64xf32>
    %get3A_4 = arith.constant 1 : index
    %get3A_5 = arith.constant 0 : index
    %get3A_6 = arith.constant 0 : index
    %get3A_7 = vector.load %arg0[%get3A_4, %get3A_5, %get3A_6] : memref<2x10112x64xf32, #tpu.memory_space<vmem>>, vector<1x10000x64xf32>
    %get3A_8 = vector.shape_cast %get3A_7 : vector<1x10000x64xf32> to vector<10000x64xf32>
    %add3A = arith.addf %get3A_3, %get3A_8 : vector<10000x64xf32>
    %eq3A = arith.constant 0.000000e+00 : f32
    %eq3A_9 = vector.broadcast %eq3A : f32 to vector<10000x64xf32>
    %eq3A_10 = arith.cmpf oeq, %add3A, %eq3A_9 : vector<10000x64xf32>
    %eq3A_11 = arith.constant 0.000000e+00 : f32
    %eq3A_12 = vector.broadcast %eq3A_11 : f32 to vector<10000x64xf32>
    %eq3A_13 = arith.cmpf oeq, %add3A, %eq3A_12 : vector<10000x64xf32>
    %jit3A = arith.constant 1.000000e+00 : f32
    %broadcast_in_dim3A = vector.broadcast %jit3A : f32 to vector<10000x64xf32>
    %select_n3A = arith.select %eq3A_13, %broadcast_in_dim3A, %add3A : vector<10000x64xi1>, vector<10000x64xf32>
    %log3A = math.log %select_n3A : vector<10000x64xf32>
    %jit3A_14 = arith.constant 0.000000e+00 : f32
    %broadcast_in_dim3A_15 = vector.broadcast %jit3A_14 : f32 to vector<10000x64xf32>
    %select_n3A_16 = arith.select %eq3A_10, %broadcast_in_dim3A_15, %log3A : vector<10000x64xi1>, vector<10000x64xf32>
    %swap3A = arith.constant 0 : index
    %swap3A_17 = arith.constant 0 : index
    %swap3A_18 = vector.load %arg1[%swap3A, %swap3A_17] : memref<10000x64xf32, #tpu.memory_space<vmem>>, vector<10000x64xf32>
    tpu.vector_store %arg1[%swap3A, %swap3A_17], %select_n3A_16 {strides = array<i32>} : memref<10000x64xf32, #tpu.memory_space<vmem>>, vector<10000x64xf32>,
    return
  }
}

</mosaic_0001>

<sc_bundles>
// kernel: kernel.5.cloned.1.call-start
scs
__scs_entry_jumppad:
0x0: {  	(pc) =	sbr.rel $0x88, $3  }
0x1: {  	(tag) =	ssettag $0x0;
	lr =	simm.s32 $0x1  }
0x2: {  	[smem:$0x3F9E] =	sst lr;
	_ =	strace $0xD0000000  }
0x3: {  	_ = 	snop  }
0x4: {  	_ = 	snop  }
0x5: {  	_ = 	snop  }
0x6: {  	_ = 	snop  }
0x7: {  	_ = 	snop  }
__scs_overlays_trampoline_lowered:
0x8: {  	[smem:$0x3FAD] =	sst s0  }
0x9: {  	[smem:$0x3FAE] =	sst s1  }
0xa: {  	[smem:$0x3FAF] =	sst s2  }
0xb: {  	[smem:$0x3FB0] =	sst s3  }
0xc: {  	[smem:$0x3FB1] =	sst s4  }
0xd: {  	[smem:$0x3FB2] =	sst s5  }
0xe: {  	[smem:$0x3FB3] =	sst s6  }
0xf: {  	[smem:$0x3FB4] =	sst s7  }
0x10: {  	[smem:$0x3FB5] =	sst s8  }
0x11: {  	[smem:$0x3FB6] =	sst s9;
	s0 =	simm.s32 @!p0 $0x0  }
0x12: {  	s1 =	sld [smem:$0x3F9C];
	s0 =	simm.s32 @p0 $0x1  }
0x13: {  	[smem:$0x3FB7] =	sst s0;
	s0 =	simm.s32 @!p1 $0x0  }
0x14: {  	s2 =	sld [smem:$0x3F9B];
	s0 =	simm.s32 @p1 $0x1  }
0x15: {  	[smem:$0x3FB8] =	sst s0;
	s0 =	simm.s32 @!p2 $0x0  }
0x16: {  	s3 =	sld [smem:$0x3FDB];
	s0 =	simm.s32 @p2 $0x1  }
0x17: {  	s4 =	simm.s32 $0x1BF5;
	[smem:$0x3FBA] =	sst s0  }
0x18: {  	s0 =	sld [smem:$0x3F9D];
	_ =	swait.ge [sflag:s4], $0x0  }
0x19: {  	s7 =	sld [smem:$0x3F9E]  }
0x1a: {  	s8 =	sadd.s32 $0xFFFFE003, lr  }
0x1b: {  	s9 =	sadd.s32 $0xFFFFFEF7, lr;
	s5 =	simm.s32 $0xFFFFFFFF;
	p2 =	slt.u32 s8, $0xFFFFF086  }
0x1c: {  	p1 =	slt.u32 s9, $0xF7A;
	s5 =	simm.s32 @!p2 $0x0  }
0x1d: {  	s5 =	simm.s32 @p1 $0x1;
	p0 =	seq.s32 s7, s2  }
0x1e: {  	s7 =	smul.u32 @!p0 $0xF7A, s2;
	p2 =	seq.s32 @!p0 s5, $0x0  }
0x1f: {  	s9 =	smul.u32 $0xF7A, s1;
	s8 =	simm.s32 @!p0 $0x1BF5;
	p2 =	por !p2, p0  }
0x20: {  	[sflag:s8] =	ssyncset.s32 @!p0 $0xFFFFF086;
	s6 =	sadd.s32 @!p0 s3, s7;
	s7 =	simm.s32 @!p0 $0x108  }
0x21: {  	s3 =	sadd.s32 s3, s9;
	s6 =	sadd.s32 @!p0 $0x88, s6;
	s7 =	simm.s32 @p2 $0x1082  }
0x22: {  	[simem:s7], [sflag:s8] =	dma.local @!p0 [hbm:s6], $0xF7A  }
0x23: {  	s9 =	sor.u32 $0xD0000000, s2;
	s6 =	simm.s32 $0x108;
	_ =	swait.ge @!p0 [sflag:s8], $0x0  }
0x24: {  	s3 =	sadd.s32 $0x88, s3;
	s6 =	simm.s32 @!p1 $0x1082;
	[sflag:s4] =	ssyncset.s32 $0xFFFFF086  }
0x25: {  	[simem:s6], [sflag:s4] =	dma.local [hbm:s3], $0xF7A  }
0x26: {  	[smem:$0x3F9E] =	sst s1;
	(tag) =	ssettag s2;
	_ =	strace s9  }
0x27: {  	s1 =	sld [smem:$0x3FAE]  }
0x28: {  	s2 =	sld [smem:$0x3FAF]  }
0x29: {  	s4 =	sld [smem:$0x3FB1]  }
0x2a: {  	p0 =	seq.s32 s5, $0x0;
	s5 =	sld [smem:$0x3FB2]  }
0x2b: {  	s6 =	sld [smem:$0x3FB3]  }
0x2c: {  	s7 =	sld [smem:$0x3FB4]  }
0x2d: {  	s3 =	simm.s32 $0x108;
	s8 =	sld [smem:$0x3FB5]  }
0x2e: {  	s3 =	simm.s32 @!p0 $0x1082;
	s9 =	sld [smem:$0x3FB6]  }
0x2f: {  	lr =	sadd.s32 s0, s3;
	s0 =	sld [smem:$0x3FAD]  }
0x30: {  	s3 =	sld [smem:$0x3FB0]  }
0x31: {  	[smem:$0x3FB9] =	sst s10  }
0x32: {  	s10 =	sld [smem:$0x3FB7];
	_ =	sdelay $0x3  }
0x33: {  	p0 =	seq.s32 s10, $0x1;
	s10 =	sld [smem:$0x3FB9];
	_ =	sdelay $0x3  }
0x34: {  	[smem:$0x3FB9] =	sst s10  }
0x35: {  	s10 =	sld [smem:$0x3FB8];
	_ =	sdelay $0x3  }
0x36: {  	p1 =	seq.s32 s10, $0x1;
	s10 =	sld [smem:$0x3FB9];
	_ =	sdelay $0x3  }
0x37: {  	[smem:$0x3FB9] =	sst s10  }
0x38: {  	s10 =	sld [smem:$0x3FBA]  }
0x39: {  	_ = 	snop;
	(pc) =	sbr.ind lr, $3  }
0x3a: {  	_ = 	snop  }
0x3b: {  	_ = 	snop  }
0x3c: {  	p2 =	seq.s32 s10, $0x1;
	s10 =	sld [smem:$0x3FB9]  }
0x3d: {  	_ =	shalt  }
0x3e: {  	_ =	shalt  }
0x3f: {  	_ =	shalt  }
0x40: {  	_ =	shalt  }
0x41: {  	_ =	shalt  }
0x42: {  	_ =	shalt  }
0x43: {  	_ =	shalt  }
0x44: {  	_ =	shalt  }
0x45: {  	_ =	shalt  }
0x46: {  	_ =	shalt  }
0x47: {  	_ =	shalt  }
0x48: {  	_ =	shalt  }
0x49: {  	_ =	shalt  }
0x4a: {  	_ =	shalt  }
0x4b: {  	_ =	shalt  }
0x4c: {  	_ =	shalt  }
0x4d: {  	_ =	shalt  }
0x4e: {  	_ =	shalt  }
0x4f: {  	_ =	shalt  }
0x50: {  	_ =	shalt  }
0x51: {  	_ =	shalt  }
0x52: {  	_ =	shalt  }
0x53: {  	_ =	shalt  }
0x54: {  	_ =	shalt  }
0x55: {  	_ =	shalt  }
0x56: {  	_ =	shalt  }
0x57: {  	_ =	shalt  }
0x58: {  	_ =	shalt  }
0x59: {  	_ =	shalt  }
0x5a: {  	_ =	shalt  }
0x5b: {  	_ =	shalt  }
0x5c: {  	_ =	shalt  }
0x5d: {  	_ =	shalt  }
0x5e: {  	_ =	shalt  }
0x5f: {  	_ =	shalt  }
0x60: {  	_ =	shalt  }
0x61: {  	_ =	shalt  }
0x62: {  	_ =	shalt  }
0x63: {  	_ =	shalt  }
0x64: {  	_ =	shalt  }
0x65: {  	_ =	shalt  }
0x66: {  	_ =	shalt  }
0x67: {  	_ =	shalt  }
0x68: {  	_ =	shalt  }
0x69: {  	_ =	shalt  }
0x6a: {  	_ =	shalt  }
0x6b: {  	_ =	shalt  }
0x6c: {  	_ =	shalt  }
0x6d: {  	_ =	shalt  }
0x6e: {  	_ =	shalt  }
0x6f: {  	_ =	shalt  }
0x70: {  	_ =	shalt  }
0x71: {  	_ =	shalt  }
0x72: {  	_ =	shalt  }
0x73: {  	_ =	shalt  }
0x74: {  	_ =	shalt  }
0x75: {  	_ =	shalt  }
0x76: {  	_ =	shalt  }
0x77: {  	_ =	shalt  }
0x78: {  	_ =	shalt  }
0x79: {  	_ =	shalt  }
0x7a: {  	_ =	shalt  }
0x7b: {  	_ =	shalt  }
0x7c: {  	_ =	shalt  }
0x7d: {  	_ =	shalt  }
0x7e: {  	_ =	shalt  }
0x7f: {  	_ =	shalt  }
0x80: {  	_ =	shalt  }
0x81: {  	_ =	shalt  }
0x82: {  	_ =	shalt  }
0x83: {  	_ =	shalt  }
0x84: {  	_ =	shalt  }
0x85: {  	_ =	shalt  }
0x86: {  	_ =	shalt  }
0x87: {  	_ =	shalt  }
.Lfunc_end0:
.L_simem_size_0:
called_computation_lowered:
.L_overlay_start_0:
0x88: {  	s2 =	sld [smem:$0x3FD9]  }
0x89: {  	s3 =	sld [smem:$0x3FFE];
	_ =	sdelay $0x1  }
0x8a: {  	s1 =	srdreg.scid  }
0x8b: {  	s0 =	sand.u32 $0x1, s1  }
0x8c: {  	s17 =	sshll.u32 s0, $0xA;
	s2 =	sadd.s32 s3, s2  }
0x8d: {  	s2 =	sadd.s32 s2, s17  }
0x8e: {  	[smem:$0x3FC5] =	sst s2  }
0x8f: {  	_ = 	snop  }
0x90: {  	s2 =	sld [smem:$0x3FD0];
	(tm) =	ssettm $0x1  }
0x91: {  	s18 =	sld [smem:$0x3FFB];
	_ =	sdelay $0x3  }
0x92: {  	_ =	strace s18  }
0x93: {  	s3 =	sld [smem:$0x3FFC];
	_ =	sdelay $0x3  }
0x94: {  	_ =	strace s3  }
0x95: {  	s3 =	sld [smem:$0x3FFD];
	_ =	sdelay $0x3  }
0x96: {  	_ =	strace s3  }
0x97: {  	_ =	strace $0x8FFFFFFF  }
0x98: {  	s19 =	sld [smem:$0x3FDB];
	_ =	sdelay $0x1  }
0x99: {  	s4 =	simm.s32 $_scs_section_size  }
0x9a: {  	s5 =	simm.s32 $_size__tile_overlayer_lowered;
	s6 =	simm.s32 $_tile_overlayer_lowered  }
0x9b: {  	s22 =	simm.s32 $0x1BFF;
	s21 =	sshll.u32 s6, $0x1;
	s3 =	sadd.s32 s4, s19  }
0x9c: {  	s7 =	simm.s32 $0x0;
	s20 =	sshll.u32 s5, $0x1;
	s5 =	sadd.s32 s21, s3  }
0x9d: {  	[timem:s7], [sflag:s22] =	dma.local [hbm:s5], s20  }
0x9e: {  	_ =	swait.ge [sflag:s22], s20  }
0x9f: {  	s4 =	ssub.s32 $0x0, s20;
	[sflag:s22] =	ssyncset.done $0x0  }
0xa0: {  	[sflag:s22] =	ssyncadd.s32 s4;
	_ =	sdelay $0x1  }
0xa1: {  	s23 =	simm.s32 $0x1B8B  }
0xa2: {  	_ =	swait.ge [sflag:s23], $0x1  }
0xa3: {  	[sflag:s23] =	ssyncset.done $0x0  }
0xa4: {  	s25 =	simm.s32 $0x1B8E;
	s24 =	sld [smem:$0x3FFE];
	[sflag:s23] =	ssyncadd.s32 $0xFFFFFFFF  }
0xa5: {  	s26 =	simm.s32 $execute0_lowered;
	[smem:$0x3FD2] =	sst s25  }
0xa6: {  	s5 =	sshll.u32 s26, $0x1;
	_ =	strace $0x80000046;
	[dreg:$0x1] =	wrdreg $0xFFFFFFFF  }
0xa7: {  	s28 =	simm.s32 $_size_execute0_lowered;
	s3 =	sadd.s32 s3, s5;
	[dreg:$0x0] =	wrdreg $0x0  }
0xa8: {  	s5 =	sshll.u32 s28, $0x1;
	[dreg:$0x2] =	wrdreg s3  }
0xa9: {  	[dreg:$0x3] =	wrdreg s5  }
0xaa: {  	[dreg:$0x4] =	wrdreg $0xC0  }
0xab: {  	_ =	task [dreg:s7], $0x5FFFF  }
0xac: {  	[dreg:$0x1] =	wrdreg $0xFFFFFFFF  }
0xad: {  	[dreg:$0x0] =	wrdreg $0x60  }
0xae: {  	[dreg:$0x2] =	wrdreg s24  }
0xaf: {  	[dreg:$0x3] =	wrdreg s2  }
0xb0: {  	[dreg:$0x4] =	wrdreg $0xDE000  }
0xb1: {  	[dreg:$0x5] =	wrdreg $0x9  }
0xb2: {  	_ =	task.clear_ibuf [dreg:s7], $0x6FFFF;
	_ =	strace $0x90000046  }
0xb3: {  	s29 =	simm.s32 $0x9;
	_ =	strace $0x80000048  }
0xb4: {  	_ =	swait.ge [sflag:s29], $0x1  }
0xb5: {  	[sflag:s29] =	ssyncadd.s32 $0xFFFFFFFF  }
0xb6: {  	_ =	strace $0x90000048  }
0xb7: {  	_ =	sfence  }
0xb8: {  	s30 =	sld [smem:$0x0];
	_ =	sdelay $0x2  }
0xb9: {  	s31 =	sshll.u32 s1, $0xD;
	s1 =	sshrl.u32 s1, $0x2  }
0xba: {  	s3 =	sand.u32 $0x4000, s31;
	s1 =	sadd.s32 s1, s30  }
0xbb: {  	s0 =	sor.u32 s3, s0;
	s1 =	sshll.u32 s1, $0x11  }
0xbc: {  	s0 =	sor.u32 s1, s0  }
0xbd: {  	s0 =	sadd.s32 $0x8F2B, s0  }
0xbe: {  	[sflag:s0] =	ssyncadd.remote.s32 $0x1  }
0xbf: {  	_ =	sfence.sel $0xFFFF  }
0xc0: {  	[dreg:$0x0] =	wrdreg $0xFFFFFFFF;
	(pc) =	sbr.abs _section_cstart, $3  }
0xc1: {  	[dreg:$0x1] =	wrdreg $0xFFFFFFFF  }
0xc2: {  	_ =	task.clear_ibuf [dreg:s7], $0x2FFFF;
	_ =	strace $0x9FFFFFFF  }
0xc3: {  	(tm) =	ssettm $0x7FFFFFFF  }
tec
execute0_lowered:
.L_overlay_start_1:
0x0: {  	(tag) =	ssettag $0x1  }
0x1: {  	s8 =	rddreg [dreg:$0x0]  }
0x2: {  	s9 =	rddreg [dreg:$0x1]  }
0x3: {  	s0 =	srdreg.scid;
	s2 =	rddreg [dreg:$0x2]  }
0x4: {  	s3 =	simm.s32 $0x0;
	s17 =	simm.s32 $0x80;
	s18 =	simm.s32 $0x9E00  }
0x5: {  	s19 =	simm.s32 $0x1;
	s20 =	simm.s32 $0xBE00;
	s21 =	simm.s32 $0x2  }
0x6: {  	s22 =	simm.s32 $0x4E80;
	s23 =	simm.s32 $0x9D00;
	s24 =	simm.s32 $0x9D80  }
0x7: {  	s25 =	simm.s32 $0x0;
	s7 =	sand.u32 $0x1, s0;
	s0 =	stileid.u32  }
0x8: {  	[smem:$0x7FF] =	sst s3;
	s4 =	sadd.s32 $0x15600, s8;
	s11 =	smul.u32 $0x9E00, s0  }
0x9: {  	s5 =	sadd.s32 $0x1C00, s8;
	s1 =	sshll.u32 s7, $0x4;
	s6 =	smul.u32 $0x9E000, s7  }
0xa: {  	s7 =	ssub.s32 $0x2, s7;
	s14 =	sshll.u32 s0, $0x6;
	s1 =	sor.u32 s0, s1  }
0xb: {  	s31 =	sshrl.u32 s7, $0x1;
	s10 =	smul.u32 $0x9E0, s1;
	s1 =	rddreg [dreg:$0x3]  }
0xc: {  	_ =	strace $0x80000047;
	s13 =	sadd.s32 s11, s6;
	s6 =	sadd.s32 $0x64400, s8  }
0xd: {  	s15 =	ssub.s32 s7, s31;
	s16 =	sadd.s32 s11, s2;
	s7 =	sor.u32 $0x1C03, s14  }
0xe: {  	s13 =	sshrl.u32 s13, $0x3;
	s14 =	sshrl.u32 s16, $0x3;
	s16 =	simm.s32 $0x4F00  }
0xf: {  	s12 =	sadd.s32 s10, s8;
	s13 =	sadd.s32 s13, s8;
	s8 =	sadd.s32 s9, s10  }
0x10: {  	s9 =	sadd.s32 $0x3CC00, s12;
	s10 =	sadd.s32 $0x50800, s12;
	s11 =	sadd.s32 $0x29000, s12  }
0x11: {  	s12 =	sadd.s32 $0x65800, s13;
	s13 =	smax.u32 s15, $0x1;
	s15 =	simm.s32 $0x3  }
.LBB2_1:
0x12: {  	[spmem:s14], [sflag:s7] =	dma.local [hbm:s6], $0x13C0  }
0x13: {  	_ =	swait.ge [sflag:s15], $0x13C0  }
0x14: {  	[sflag:s15] =	ssyncset.done $0x0  }
0x15: {  	[sflag:s15] =	ssyncadd.s32 $0xFFFFEC40  }
0x16: {  	[bflag:$0x0] =	sbarrier.arrive $0xFFFF  }
0x17: {  	[tilespmem:s3], [sflag:$0x3] =	stream.linear.gather [hbm4b:s8+s3], $0x4F00, $0x38;
	[tilespmem:$0x17C00] =	vst v63  }
0x18: {  	_ =	swait.ge [sflag:s15], $0x4F00  }
0x19: {  	[sflag:s15] =	ssyncset.done $0x0  }
0x1a: {  	[sflag:s15] =	ssyncadd.s32 $0xFFFFB100  }
0x1b: {  	[tilespmem:s16], [sflag:$0x3] =	stream.linear.gather [hbm4b:s9+s3], $0x4F00, $0x38;
	[tilespmem:$0x17C00] =	vst v63  }
0x1c: {  	_ =	swait.ge [sflag:s15], $0x4F00  }
0x1d: {  	[sflag:s15] =	ssyncset.done $0x0  }
0x1e: {  	[sflag:s15] =	ssyncadd.s32 $0xFFFFB100  }
0x1f: {  	[tilespmem:s18], [sflag:$0x1] =	stream.indirect.gather [hbm4b:s4+s17], $0x40, s3, s17, $0xb8;
	[tilespmem:$0x17C00] =	vst v63  }
0x20: {  	_ =	swait.ge [sflag:s19], $0x2000  }
0x21: {  	[sflag:s19] =	ssyncset.done $0x0  }
0x22: {  	s26 =	simm.s32 $0x80;
	[sflag:s19] =	ssyncadd.s32 $0xFFFFE000  }
0x23: {  	[tilespmem:s20], [sflag:$0x2] =	stream.indirect.gather [hbm4b:s4+s17], $0x40, s26, s17, $0xb8;
	[tilespmem:$0x17C00] =	vst v63  }
0x24: {  	s29 =	simm.s32 $0x4F00  }
0x25: {  	[spmem:s2] =	stream.indirect.scatter.add.f32 [tilespmem:s18], [sflag:$0x3], $0x40, s29, s17, $0xb8;
	[tilespmem:$0x17C00] =	vst v63  }
0x26: {  	_ =	swait.ge [sflag:s15], $0x2000  }
0x27: {  	[sflag:s15] =	ssyncset.done $0x0  }
0x28: {  	[sflag:s15] =	ssyncadd.s32 $0xFFFFE000  }
0x29: {  	_ =	swait.ge [sflag:s21], $0x2000  }
0x2a: {  	[sflag:s21] =	ssyncset.done $0x0  }
0x2b: {  	s30 =	simm.s32 $0x100;
	[sflag:s21] =	ssyncadd.s32 $0xFFFFE000  }
0x2c: {  	[tilespmem:s18], [sflag:$0x1] =	stream.indirect.gather [hbm4b:s4+s17], $0x40, s30, s17, $0xb8;
	[tilespmem:$0x17C00] =	vst v63  }
0x2d: {  	s31 =	simm.s32 $0x4F80  }
0x2e: {  	[spmem:s2] =	stream.indirect.scatter.add.f32 [tilespmem:s20], [sflag:$0x3], $0x40, s31, s17, $0xb8;
	[tilespmem:$0x17C00] =	vst v63  }
0x2f: {  	_ =	swait.ge [sflag:s15], $0x2000  }
0x30: {  	[sflag:s15] =	ssyncset.done $0x0  }
0x31: {  	[sflag:s15] =	ssyncadd.s32 $0xFFFFE000  }
0x32: {  	_ =	swait.ge [sflag:s19], $0x2000  }
0x33: {  	s28 =	simm.s32 $0x800;
	s26 =	simm.s32 $0x100;
	[sflag:s19] =	ssyncset.done $0x0  }
.LBB2_2:
0x34: {  	s29 =	sadd.s32 $0x80, s26  }
0x35: {  	[sflag:s19] =	ssyncadd.s32 $0xFFFFE000;
	s30 =	smov.u32 s28;
	s31 =	sadd.s32 $0x400, s28  }
0x36: {  	[tilespmem:s20], [sflag:$0x2] =	stream.indirect.gather [hbm4b:s4+s17], $0x40, s29, s17, $0xb8;
	[tilespmem:$0x17C00] =	vst v63  }
0x37: {  	p0 =	sne.s32 s28, $0x13400;
	s28 =	sadd.s32 $0x4F00, s26  }
0x38: {  	[spmem:s2] =	stream.indirect.scatter.add.f32 [tilespmem:s18], [sflag:$0x3], $0x40, s28, s17, $0xb8;
	[tilespmem:$0x17C00] =	vst v63  }
0x39: {  	_ =	swait.ge [sflag:s15], $0x2000  }
0x3a: {  	[sflag:s15] =	ssyncset.done $0x0  }
0x3b: {  	[sflag:s15] =	ssyncadd.s32 $0xFFFFE000  }
0x3c: {  	_ =	swait.ge [sflag:s21], $0x2000  }
0x3d: {  	[sflag:s21] =	ssyncset.done $0x0  }
0x3e: {  	s28 =	sadd.s32 $0x100, s26;
	[sflag:s21] =	ssyncadd.s32 $0xFFFFE000  }
0x3f: {  	[tilespmem:s18], [sflag:$0x1] =	stream.indirect.gather [hbm4b:s4+s17], $0x40, s28, s17, $0xb8;
	[tilespmem:$0x17C00] =	vst v63  }
0x40: {  	s26 =	sadd.s32 $0x4F80, s26  }
0x41: {  	[spmem:s2] =	stream.indirect.scatter.add.f32 [tilespmem:s20], [sflag:$0x3], $0x40, s26, s17, $0xb8;
	[tilespmem:$0x17C00] =	vst v63  }
.Ltmp0:
0x42: {  	_ =	swait.ge [sflag:s15], $0x2000;
	(pc) =	sbr.rel @p0 .LBB2_2-.Ltmp0, $4  }
0x43: {  	[sflag:s15] =	ssyncset.done $0x0  }
0x44: {  	[sflag:s15] =	ssyncadd.s32 $0xFFFFE000  }
0x45: {  	_ =	swait.ge [sflag:s19], $0x2000  }
0x46: {  	s28 =	smov.u32 s31;
	s26 =	sshra.s32 s30, $0x2;
	[sflag:s19] =	ssyncset.done $0x0  }
0x47: {  	s28 =	sadd.s32 $0x80, s26;
	[sflag:s19] =	ssyncadd.s32 $0xFFFFE000  }
0x48: {  	[tilespmem:s20], [sflag:$0x2] =	stream.indirect.gather [hbm4b:s4+s17], $0x40, s28, s17, $0xb8;
	[tilespmem:$0x17C00] =	vst v63  }
0x49: {  	s28 =	sadd.s32 $0x4F00, s26  }
0x4a: {  	[spmem:s2] =	stream.indirect.scatter.add.f32 [tilespmem:s18], [sflag:$0x3], $0x40, s28, s17, $0xb8;
	[tilespmem:$0x17C00] =	vst v63  }
0x4b: {  	_ =	swait.ge [sflag:s15], $0x2000  }
0x4c: {  	[sflag:s15] =	ssyncset.done $0x0  }
0x4d: {  	[sflag:s15] =	ssyncadd.s32 $0xFFFFE000  }
0x4e: {  	_ =	swait.ge [sflag:s21], $0x2000  }
0x4f: {  	[sflag:s21] =	ssyncset.done $0x0  }
0x50: {  	s28 =	sadd.s32 $0x100, s26;
	[sflag:s21] =	ssyncadd.s32 $0xFFFFE000  }
0x51: {  	[tilespmem:s18], [sflag:$0x1] =	stream.indirect.gather [hbm4b:s4+s17], $0x40, s28, s17, $0xb8;
	[tilespmem:$0x17C00] =	vst v63  }
0x52: {  	s29 =	sadd.s32 $0x4F80, s26  }
0x53: {  	[spmem:s2] =	stream.indirect.scatter.add.f32 [tilespmem:s20], [sflag:$0x3], $0x40, s29, s17, $0xb8;
	[tilespmem:$0x17C00] =	vst v63  }
0x54: {  	_ =	swait.ge [sflag:s15], $0x2000  }
0x55: {  	[sflag:s15] =	ssyncset.done $0x0  }
0x56: {  	[sflag:s15] =	ssyncadd.s32 $0xFFFFE000  }
0x57: {  	_ =	swait.ge [sflag:s19], $0x2000  }
0x58: {  	[sflag:s19] =	ssyncset.done $0x0  }
0x59: {  	[sflag:s19] =	ssyncadd.s32 $0xFFFFE000  }
0x5a: {  	[tilespmem:s20], [sflag:$0x2] =	stream.indirect.gather [hbm4b:s4+s17], $0x40, s22, s17, $0xb8;
	[tilespmem:$0x17C00] =	vst v63  }
0x5b: {  	_ = 	snop  }
0x5c: {  	[spmem:s2] =	stream.indirect.scatter.add.f32 [tilespmem:s18], [sflag:$0x3], $0x40, s23, s17, $0xb8;
	[tilespmem:$0x17C00] =	vst v63  }
0x5d: {  	_ =	swait.ge [sflag:s15], $0x2000  }
0x5e: {  	[sflag:s15] =	ssyncset.done $0x0  }
0x5f: {  	[sflag:s15] =	ssyncadd.s32 $0xFFFFE000  }
0x60: {  	_ =	swait.ge [sflag:s21], $0x2000  }
0x61: {  	[sflag:s21] =	ssyncset.done $0x0  }
0x62: {  	[sflag:s21] =	ssyncadd.s32 $0xFFFFE000  }
0x63: {  	[spmem:s2] =	stream.indirect.scatter.add.f32 [tilespmem:s20], [sflag:$0x3], $0x40, s24, s17, $0xb8;
	[tilespmem:$0x17C00] =	vst v63  }
0x64: {  	_ =	swait.ge [sflag:s15], $0x2000  }
0x65: {  	[sflag:s15] =	ssyncset.done $0x0  }
0x66: {  	s30 =	simm.s32 $0x0;
	[sflag:s15] =	ssyncadd.s32 $0xFFFFE000  }
0x67: {  	[tilespmem:s30], [sflag:$0x3] =	stream.linear.gather [hbm4b:s10+s30], $0x4F00, $0x38;
	[tilespmem:$0x17C00] =	vst v63  }
0x68: {  	_ =	swait.ge [sflag:s15], $0x4F00  }
0x69: {  	[sflag:s15] =	ssyncset.done $0x0  }
0x6a: {  	[sflag:s15] =	ssyncadd.s32 $0xFFFFB100  }
0x6b: {  	[tilespmem:s16], [sflag:$0x3] =	stream.linear.gather [hbm4b:s11+s30], $0x4F00, $0x38;
	[tilespmem:$0x17C00] =	vst v63  }
0x6c: {  	_ =	swait.ge [sflag:s15], $0x4F00  }
0x6d: {  	[sflag:s15] =	ssyncset.done $0x0  }
0x6e: {  	[sflag:s15] =	ssyncadd.s32 $0xFFFFB100  }
0x6f: {  	[tilespmem:s18], [sflag:$0x1] =	stream.indirect.gather [hbm4b:s5+s17], $0x40, s30, s17, $0xb8;
	[tilespmem:$0x17C00] =	vst v63  }
0x70: {  	_ =	swait.ge [sflag:s19], $0x2000  }
0x71: {  	[sflag:s19] =	ssyncset.done $0x0  }
0x72: {  	s31 =	simm.s32 $0x80;
	[sflag:s19] =	ssyncadd.s32 $0xFFFFE000  }
0x73: {  	[tilespmem:s20], [sflag:$0x2] =	stream.indirect.gather [hbm4b:s5+s17], $0x40, s31, s17, $0xb8;
	[tilespmem:$0x17C00] =	vst v63  }
0x74: {  	s29 =	simm.s32 $0x4F00  }
0x75: {  	[spmem:s2] =	stream.indirect.scatter.add.f32 [tilespmem:s18], [sflag:$0x3], $0x40, s29, s17, $0xb8;
	[tilespmem:$0x17C00] =	vst v63  }
0x76: {  	_ =	swait.ge [sflag:s15], $0x2000  }
0x77: {  	[sflag:s15] =	ssyncset.done $0x0  }
0x78: {  	[sflag:s15] =	ssyncadd.s32 $0xFFFFE000  }
0x79: {  	_ =	swait.ge [sflag:s21], $0x2000  }
0x7a: {  	[sflag:s21] =	ssyncset.done $0x0  }
0x7b: {  	s30 =	simm.s32 $0x100;
	[sflag:s21] =	ssyncadd.s32 $0xFFFFE000  }
0x7c: {  	[tilespmem:s18], [sflag:$0x1] =	stream.indirect.gather [hbm4b:s5+s17], $0x40, s30, s17, $0xb8;
	[tilespmem:$0x17C00] =	vst v63  }
0x7d: {  	s31 =	simm.s32 $0x4F80  }
0x7e: {  	[spmem:s2] =	stream.indirect.scatter.add.f32 [tilespmem:s20], [sflag:$0x3], $0x40, s31, s17, $0xb8;
	[tilespmem:$0x17C00] =	vst v63  }
0x7f: {  	_ =	swait.ge [sflag:s15], $0x2000  }
0x80: {  	[sflag:s15] =	ssyncset.done $0x0  }
0x81: {  	[sflag:s15] =	ssyncadd.s32 $0xFFFFE000  }
0x82: {  	_ =	swait.ge [sflag:s19], $0x2000  }
0x83: {  	s26 =	simm.s32 $0x100;
	s28 =	simm.s32 $0x800;
	[sflag:s19] =	ssyncset.done $0x0  }
.LBB2_4:
0x84: {  	s29 =	sadd.s32 $0x80, s26  }
0x85: {  	[sflag:s19] =	ssyncadd.s32 $0xFFFFE000;
	s30 =	smov.u32 s28;
	s31 =	sadd.s32 $0x400, s28  }
0x86: {  	[tilespmem:s20], [sflag:$0x2] =	stream.indirect.gather [hbm4b:s5+s17], $0x40, s29, s17, $0xb8;
	[tilespmem:$0x17C00] =	vst v63  }
0x87: {  	p0 =	sne.s32 s28, $0x13400;
	s28 =	sadd.s32 $0x4F00, s26  }
0x88: {  	[spmem:s2] =	stream.indirect.scatter.add.f32 [tilespmem:s18], [sflag:$0x3], $0x40, s28, s17, $0xb8;
	[tilespmem:$0x17C00] =	vst v63  }
0x89: {  	_ =	swait.ge [sflag:s15], $0x2000  }
0x8a: {  	[sflag:s15] =	ssyncset.done $0x0  }
0x8b: {  	[sflag:s15] =	ssyncadd.s32 $0xFFFFE000  }
0x8c: {  	_ =	swait.ge [sflag:s21], $0x2000  }
0x8d: {  	[sflag:s21] =	ssyncset.done $0x0  }
0x8e: {  	s28 =	sadd.s32 $0x100, s26;
	[sflag:s21] =	ssyncadd.s32 $0xFFFFE000  }
0x8f: {  	[tilespmem:s18], [sflag:$0x1] =	stream.indirect.gather [hbm4b:s5+s17], $0x40, s28, s17, $0xb8;
	[tilespmem:$0x17C00] =	vst v63  }
0x90: {  	s26 =	sadd.s32 $0x4F80, s26  }
0x91: {  	[spmem:s2] =	stream.indirect.scatter.add.f32 [tilespmem:s20], [sflag:$0x3], $0x40, s26, s17, $0xb8;
	[tilespmem:$0x17C00] =	vst v63  }
.Ltmp1:
0x92: {  	_ =	swait.ge [sflag:s15], $0x2000;
	(pc) =	sbr.rel @p0 .LBB2_4-.Ltmp1, $4  }
0x93: {  	[sflag:s15] =	ssyncset.done $0x0  }
0x94: {  	[sflag:s15] =	ssyncadd.s32 $0xFFFFE000  }
0x95: {  	_ =	swait.ge [sflag:s19], $0x2000  }
0x96: {  	s28 =	smov.u32 s31;
	s26 =	sshra.s32 s30, $0x2;
	[sflag:s19] =	ssyncset.done $0x0  }
0x97: {  	s28 =	sadd.s32 $0x80, s26;
	[sflag:s19] =	ssyncadd.s32 $0xFFFFE000  }
0x98: {  	[tilespmem:s20], [sflag:$0x2] =	stream.indirect.gather [hbm4b:s5+s17], $0x40, s28, s17, $0xb8;
	[tilespmem:$0x17C00] =	vst v63  }
0x99: {  	s29 =	sadd.s32 $0x4F00, s26  }
0x9a: {  	[spmem:s2] =	stream.indirect.scatter.add.f32 [tilespmem:s18], [sflag:$0x3], $0x40, s29, s17, $0xb8;
	[tilespmem:$0x17C00] =	vst v63  }
0x9b: {  	_ =	swait.ge [sflag:s15], $0x2000  }
0x9c: {  	[sflag:s15] =	ssyncset.done $0x0  }
0x9d: {  	[sflag:s15] =	ssyncadd.s32 $0xFFFFE000  }
0x9e: {  	_ =	swait.ge [sflag:s21], $0x2000  }
0x9f: {  	[sflag:s21] =	ssyncset.done $0x0  }
0xa0: {  	s30 =	sadd.s32 $0x100, s26;
	[sflag:s21] =	ssyncadd.s32 $0xFFFFE000  }
0xa1: {  	[tilespmem:s18], [sflag:$0x1] =	stream.indirect.gather [hbm4b:s5+s17], $0x40, s30, s17, $0xb8;
	[tilespmem:$0x17C00] =	vst v63  }
0xa2: {  	s31 =	sadd.s32 $0x4F80, s26  }
0xa3: {  	[spmem:s2] =	stream.indirect.scatter.add.f32 [tilespmem:s20], [sflag:$0x3], $0x40, s31, s17, $0xb8;
	[tilespmem:$0x17C00] =	vst v63  }
0xa4: {  	_ =	swait.ge [sflag:s15], $0x2000  }
0xa5: {  	[sflag:s15] =	ssyncset.done $0x0  }
0xa6: {  	[sflag:s15] =	ssyncadd.s32 $0xFFFFE000  }
0xa7: {  	_ =	swait.ge [sflag:s19], $0x2000  }
0xa8: {  	[sflag:s19] =	ssyncset.done $0x0  }
0xa9: {  	[sflag:s19] =	ssyncadd.s32 $0xFFFFE000  }
0xaa: {  	[tilespmem:s20], [sflag:$0x2] =	stream.indirect.gather [hbm4b:s5+s17], $0x40, s22, s17, $0xb8;
	[tilespmem:$0x17C00] =	vst v63  }
0xab: {  	_ = 	snop  }
0xac: {  	[spmem:s2] =	stream.indirect.scatter.add.f32 [tilespmem:s18], [sflag:$0x3], $0x40, s23, s17, $0xb8;
	[tilespmem:$0x17C00] =	vst v63  }
0xad: {  	_ =	swait.ge [sflag:s15], $0x2000  }
0xae: {  	[sflag:s15] =	ssyncset.done $0x0  }
0xaf: {  	[sflag:s15] =	ssyncadd.s32 $0xFFFFE000  }
0xb0: {  	_ =	swait.ge [sflag:s21], $0x2000  }
0xb1: {  	[sflag:s21] =	ssyncset.done $0x0  }
0xb2: {  	[sflag:s21] =	ssyncadd.s32 $0xFFFFE000  }
0xb3: {  	[spmem:s2] =	stream.indirect.scatter.add.f32 [tilespmem:s20], [sflag:$0x3], $0x40, s24, s17, $0xb8;
	[tilespmem:$0x17C00] =	vst v63  }
0xb4: {  	_ =	swait.ge [sflag:s15], $0x2000  }
0xb5: {  	s25 =	sadd.s32 $0x1, s25;
	[sflag:s15] =	ssyncset.done $0x0  }
0xb6: {  	p0 =	sne.s32 s25, s13;
	[sflag:s15] =	ssyncadd.s32 $0xFFFFE000  }
.Ltmp2:
0xb7: {  	[bflag:$0x0] =	sbarrier.arrive $0xFFFF;
	(pc) =	sbr.rel @p0 .LBB2_1-.Ltmp2, $4  }
0xb8: {  	[hbm:s12], [sflag:s7] =	dma.local [spmem:s14], $0x13C0  }
0xb9: {  	_ =	swait.ge [sflag:s15], $0x13C0  }
0xba: {  	[sflag:s15] =	ssyncset.done $0x0  }
0xbb: {  	[sflag:s15] =	ssyncadd.s32 $0xFFFFEC40  }
0xbc: {  	_ =	sfence.sel $0x180000  }
0xbd: {  	[bflag:$0x0] =	sbarrier.arrive $0xFFFF  }
0xbe: {  	p0 =	sne.s32 s0, $0x0;
	_ =	strace $0x90000047  }
0xbf: {  	s0 =	sadd.s32 @!p0 $0x100000, s1;
	[bflag:$0x2] =	sbarrier.arrive $0xFFFF  }
0xc0: {  	[sflag:s0] =	ssyncadd.tile.s32 @!p0 $0x1;
	_ =	shalt  }
.Lfunc_end2:
_tile_overlayer_lowered:
.L_overlay_start_2:
0xc1: {  	(tag) =	ssettag $0x2  }
0xc2: {  	s0 =	rddreg [dreg:$0x0];
	s2 =	stileid.u32  }
0xc3: {  	s1 =	rddreg [dreg:$0x1];
	p0 =	sne.s32 s2, $0x0  }
0xc4: {  	s3 =	rddreg [dreg:$0x2];
	[bflag:$0x3] =	sbarrier.arrive $0xFFFF;
	s2 =	simm.s32 @!p0 $0x1C03  }
0xc5: {  	[timem:s3], [sflag:s2] =	dma.local @!p0 [hbm:s0], s1  }
0xc6: {  	s0 =	simm.s32 @!p0 $0x3  }
0xc7: {  	_ =	swait.ge @!p0 [sflag:s0], s1  }
0xc8: {  	s1 =	ssub.s32 @!p0 $0x0, s1;
	[sflag:s0] =	ssyncset.done @!p0 $0x0  }
0xc9: {  	[sflag:s0] =	ssyncadd.s32 @!p0 s1  }
0xca: {  	[bflag:$0x3] =	sbarrier.arrive $0xFFFF  }
0xcb: {  	_ =	shalt  }

</sc_bundles>
